<compile_context>
chip_gen: v7x
topology: tpu7x:2x2x1
jax: 0.10.2.dev20260603
libtpu: 0.0.44.dev20260713+nightly
codegen_flags: <defaults>
</compile_context>

<pallas_src>
import functools

import jax
import jax.numpy as jnp
from jax import lax
from jax.experimental import pallas as pl
from jax.experimental.pallas import tpu as pltpu
from jax.experimental.pallas import tpu_sc as plsc

_B, _H, _W, _K = 8, 256, 256, 64
_BAND = 24
_LAMBDA_FLUX = 0.1


def _round_half_even_nonneg(x):
    t = x.astype(jnp.int32)
    r = x - t.astype(jnp.float32)
    inc = (r > 0.5) | ((r == 0.5) & ((t & 1) == 1))
    return t + jnp.where(inc, 1, 0)


def _tc_body(cent_ref, hm_ref, out_ref, *hmt_refs):
    b = pl.program_id(0)
    bufs = hmt_refs
    for buf in bufs:
        buf[...] = jnp.zeros((_H, _W), jnp.float32)
    col_i = lax.broadcasted_iota(jnp.int32, (_BAND, _W), 1).astype(jnp.float32)
    row_i = lax.broadcasted_iota(jnp.int32, (_BAND, _W), 0).astype(jnp.float32)

    def gband(k):
        cx = cent_ref[b, 0, k] * jnp.float32(_W - 1)
        cy = cent_ref[b, 1, k] * jnp.float32(_H - 1)
        kxi = jnp.clip(_round_half_even_nonneg(cx), 0, _W - 1)
        kyi = jnp.clip(_round_half_even_nonneg(cy), 0, _H - 1)
        start = jnp.minimum((jnp.maximum(kyi - 7, 0) // 8) * 8, _H - _BAND)
        start = pl.multiple_of(start, 8)
        start_f = start.astype(jnp.float32)
        rowt = row_i + (start_f - cy)
        d2 = (col_i - cx) ** 2 + rowt * rowt
        g = jnp.exp(-d2 / 8.0)
        win = (jnp.abs(col_i - kxi.astype(jnp.float32)) <= 7.0) & (
            jnp.abs(row_i + (start_f - kyi.astype(jnp.float32))) <= 7.0)
        return jnp.where(win, g, 0.0), start

    def merge(buf, g, start):
        start = pl.multiple_of(start, 8)
        buf[pl.ds(start, _BAND), :] = jnp.maximum(
            buf[pl.ds(start, _BAND), :], g)

    nb = len(bufs)

    def body(i, carry):
        for j, buf in enumerate(bufs):
            g, start = gband(i * nb + j)
            merge(buf, g, start)
        return carry

    lax.fori_loop(0, _K // nb, body, 0)

    p = jnp.clip(hm_ref[0, 0], 1e-6, 1.0 - 1e-6)
    t = hmt_refs[0][...]
    for buf in hmt_refs[1:]:
        t = jnp.maximum(t, buf[...])
    posm = t == 1.0
    lp = jnp.log(jnp.where(posm, p, 1.0 - p))
    omt = 1.0 - t
    omt2 = omt * omt
    negv = omt2 * omt2 * p * p
    omp = 1.0 - p
    posv = omp * omp
    contrib = -jnp.sum(jnp.where(posm, posv, negv) * lp)
    npos_cnt = jnp.sum(posm.astype(jnp.float32))

    oi = lax.broadcasted_iota(jnp.int32, (1, 1, 8), 2)
    out_ref[...] = jnp.where(oi == 0, contrib,
                             jnp.where(oi == 1, npos_cnt, 0.0))


def _sc_body(stage_hbm, off_hbm, flux_hbm, out_hbm,
             buf_v, keys_v, idxo_v, idxf_v, gatho_v, gathf_v,
             outv_v, semo, semf):
    c = lax.axis_index("c")
    s = lax.axis_index("s")
    wid = s * 2 + c
    b = wid // 4
    boff = (wid % 4) * 16

    pltpu.sync_copy(stage_hbm.at[pl.ds(b * 192, 192)], buf_v)

    iota = lax.iota(jnp.int32, 16)

    def cell(xv, lim):
        return jnp.clip(_round_half_even_nonneg(xv * jnp.float32(lim - 1)),
                        0, lim - 1)

    mycx = buf_v[pl.ds(boff, 16)] * jnp.float32(_W - 1)
    mycy = buf_v[pl.ds(64 + boff, 16)] * jnp.float32(_H - 1)
    gfl = buf_v[pl.ds(128 + boff, 16)]
    kx = cell(buf_v[pl.ds(boff, 16)], _W)
    ky = cell(buf_v[pl.ds(64 + boff, 16)], _H)
    dx = mycx - kx.astype(jnp.float32)
    dy = mycy - ky.astype(jnp.float32)
    mykey = ky * _W + kx

    pix = ky * _W + kx
    ob = (2 * b) * (_H * _W)
    idxo_v[pl.ds(0, 16)] = ob + pix
    idxo_v[pl.ds(16, 16)] = ob + _H * _W + pix
    idxf_v[...] = b * (_H * _W) + pix
    cp_o = pltpu.async_copy(off_hbm.at[idxo_v], gatho_v, semo)
    cp_f = pltpu.async_copy(flux_hbm.at[idxf_v], gathf_v, semf)

    for d in range(4):
        kxd = cell(buf_v[pl.ds(d * 16, 16)], _W)
        kyd = cell(buf_v[pl.ds(64 + d * 16, 16)], _H)
        keys_v[pl.ds(d * 16, 16)] = kyd * _W + kxd
    for d in range(4):
        keys_v[pl.ds(64 + d * 16, 16)] = iota * 0 - 1

    def wbody(shift, loser):
        other = keys_v[pl.ds(boff + shift, 16)]
        return loser | (other == mykey)

    loser = lax.fori_loop(1, 64, wbody, iota < 0)
    w = jnp.where(loser, 0.0, 1.0)

    cp_o.wait()
    cp_f.wait()
    o0 = gatho_v[pl.ds(0, 16)]
    o1 = gatho_v[pl.ds(16, 16)]
    fl = gathf_v[...]

    outv_v[pl.ds(0, 16)] = w * (jnp.abs(o0 - dx) + jnp.abs(o1 - dy))
    outv_v[pl.ds(16, 16)] = w * jnp.abs(fl - gfl)
    outv_v[pl.ds(32, 16)] = w
    pltpu.sync_copy(outv_v, out_hbm.at[wid])


def _tc_call(cent, heatmap):
    return pl.pallas_call(
        _tc_body,
        grid=(_B,),
        in_specs=[
            pl.BlockSpec(memory_space=pltpu.SMEM),
            pl.BlockSpec((1, 1, _H, _W), lambda b: (b, 0, 0, 0)),
        ],
        out_specs=pl.BlockSpec((1, 1, 8), lambda b: (b, 0, 0)),
        out_shape=jax.ShapeDtypeStruct((_B, 1, 8), jnp.float32),
        scratch_shapes=[pltpu.VMEM((_H, _W), jnp.float32)] * 4,
    )(cent, heatmap)


def _sc_call(stage, off_flat, flux_flat):
    mesh = plsc.VectorSubcoreMesh(core_axis_name="c", subcore_axis_name="s")
    f = functools.partial(
        pl.kernel,
        mesh=mesh,
        out_type=jax.ShapeDtypeStruct((32, 48), jnp.float32),
        scratch_types=[
            pltpu.VMEM((192,), jnp.float32),
            pltpu.VMEM((128,), jnp.int32),
            pltpu.VMEM((32,), jnp.int32),
            pltpu.VMEM((16,), jnp.int32),
            pltpu.VMEM((32,), jnp.float32),
            pltpu.VMEM((16,), jnp.float32),
            pltpu.VMEM((48,), jnp.float32),
            pltpu.SemaphoreType.DMA,
            pltpu.SemaphoreType.DMA,
        ],
    )(_sc_body)
    return f(stage, off_flat, flux_flat)


def kernel(heatmap, offset, log_flux, gt_centroids, gt_log_flux):
    B, _, H, W = heatmap.shape
    K = gt_centroids.shape[1]

    cent = jnp.transpose(gt_centroids, (0, 2, 1))

    stage = jnp.concatenate(
        [gt_centroids[:, :, 0], gt_centroids[:, :, 1], gt_log_flux],
        axis=1).reshape(-1)
    sc_out = _sc_call(stage, offset.reshape(-1), log_flux.reshape(-1))
    tc_out = _tc_call(cent, heatmap)

    nposf = jnp.maximum(tc_out[:, 0, 1].sum(), 1.0)
    l_hm = tc_out[:, 0, 0].sum() / nposf

    npos = jnp.maximum(sc_out[:, 32:48].sum(), 1.0)
    l_off = sc_out[:, 0:16].sum() / npos
    l_fl = _LAMBDA_FLUX * (sc_out[:, 16:32].sum() / npos)

    total = l_hm + l_off + l_fl
    return (l_hm, l_off, l_fl, total, jnp.float32(K))

# --- scband reference (transcript-rebuilt; emitter-appended) ---
"""Pipeline reference for scband-center-net-loss-31147102830885 (READ-ONLY COPY).

The authoritative reference and input builder live on the scoring server;
editing this copy changes nothing except your own understanding.
"""

import jax, jax.numpy as jnp
import numpy as np

LAMBDA_HM = 1.0
LAMBDA_OFF = 1.0
LAMBDA_FLUX = 0.1
SIGMA = 2.0


def setup_inputs(seed: int = 0) -> dict:
    key = jax.random.key(seed)
    k1, k2, k3, k4, k5 = jax.random.split(key, 5)
    B, H, W, K = 8, 256, 256, 64
    return {
        "heatmap": jax.random.uniform(k1, (B, 1, H, W), dtype=jnp.float32),
        "offset": jax.random.normal(k2, (B, 2, H, W), dtype=jnp.float32),
        "log_flux": jax.random.normal(k3, (B, H, W), dtype=jnp.float32),
        "gt_centroids": jax.random.uniform(k4, (B, K, 2), dtype=jnp.float32),
        "gt_log_flux": jax.random.normal(k5, (B, K), dtype=jnp.float32),
    }


def _render_targets(gt_centroids, feat_h, feat_w, sigma):
    B, K, _ = gt_centroids.shape
    gy = jnp.arange(feat_h, dtype=jnp.float32)
    gx = jnp.arange(feat_w, dtype=jnp.float32)
    grid_y, grid_x = jnp.meshgrid(gy, gx, indexing="ij")
    radius = float(int(3 * sigma + 1))
    cx = gt_centroids[:, :, 0] * (feat_w - 1)
    cy = gt_centroids[:, :, 1] * (feat_h - 1)
    cx_int = jnp.clip(jnp.round(cx), 0, feat_w - 1).astype(jnp.int32)
    cy_int = jnp.clip(jnp.round(cy), 0, feat_h - 1).astype(jnp.int32)
    dx = cx - cx_int.astype(jnp.float32)
    dy = cy - cy_int.astype(jnp.float32)

    def body(hm, xs):
        cxk, cyk, cxik, cyik = xs  # each [B]
        g = jnp.exp(-(((grid_x[None] - cxk[:, None, None]) ** 2)
                      + ((grid_y[None] - cyk[:, None, None]) ** 2)) / (2.0 * sigma ** 2))
        win = (jnp.abs(grid_x[None] - cxik[:, None, None]) <= radius) & \
              (jnp.abs(grid_y[None] - cyik[:, None, None]) <= radius)
        g = jnp.where(win, g, 0.0)
        return jnp.maximum(hm, g), None

    xs = (cx.T, cy.T, cx_int.T.astype(jnp.float32), cy_int.T.astype(jnp.float32))
    hm, _ = jax.lax.scan(body, jnp.zeros((B, feat_h, feat_w), jnp.float32), xs)

    b_idx = jnp.broadcast_to(jnp.arange(B)[:, None], (B, K))
    off = jnp.zeros((B, 2, feat_h, feat_w), jnp.float32)
    off = off.at[b_idx, 0, cy_int, cx_int].set(dx)
    off = off.at[b_idx, 1, cy_int, cx_int].set(dy)
    mask = jnp.zeros((B, 1, feat_h, feat_w), jnp.float32).at[b_idx, 0, cy_int, cx_int].set(1.0)
    n_src = jnp.full((B,), float(K), jnp.float32)
    return hm[:, None], off, mask, n_src, cx_int, cy_int


def _focal_loss(pred, target, alpha=2.0, beta=4.0):
    pred = jnp.clip(pred, 1e-6, 1.0 - 1e-6)
    pos_mask = (target == 1.0).astype(jnp.float32)
    neg_mask = 1.0 - pos_mask
    pos_loss = -((1.0 - pred) ** alpha) * jnp.log(pred) * pos_mask
    neg_loss = -((1.0 - target) ** beta) * (pred ** alpha) * jnp.log(1.0 - pred) * neg_mask
    n_pos = jnp.maximum(pos_mask.sum(), 1.0)
    return (pos_loss.sum() + neg_loss.sum()) / n_pos


def reference(heatmap, offset, log_flux, gt_centroids, gt_log_flux):
    B, _, H, W = heatmap.shape
    hm_t, off_t, off_mask, n_src, cx_int, cy_int = _render_targets(gt_centroids, H, W, SIGMA)
    loss_hm = _focal_loss(heatmap, hm_t)
    n_pos = jnp.maximum(off_mask.sum(), 1.0)
    loss_off = (jnp.abs(offset - off_t) * off_mask).sum() / n_pos
    b_idx = jnp.broadcast_to(jnp.arange(B)[:, None], gt_log_flux.shape)
    flux_t = jnp.zeros((B, H, W), jnp.float32).at[b_idx, cy_int, cx_int].set(gt_log_flux)
    loss_flux = (jnp.abs(log_flux - flux_t) * off_mask[:, 0]).sum() / n_pos
    l_hm = LAMBDA_HM * loss_hm
    l_off = LAMBDA_OFF * loss_off
    l_fl = LAMBDA_FLUX * loss_flux
    loss_total = l_hm + l_off + l_fl
    return (l_hm, l_off, l_fl, loss_total, n_src.mean())

if __name__ == "__main__":
    import jax
    _d = setup_inputs()
    print(jax.jit(kernel)(*tuple(_d.values())))

</pallas_src>

<mosaic_0001>
#map = affine_map<(d0, d1) -> (0)>
#map1 = affine_map<(d0, d1) -> (0, 0)>
module attributes {stable_mosaic.version = 14 : i64} {
  func.func @_sc_body(%arg0: i32, %arg1: i32, %arg2: memref<1536xf32, #tpu.memory_space<hbm>>, %arg3: memref<1048576xf32, #tpu.memory_space<hbm>>, %arg4: memref<524288xf32, #tpu.memory_space<hbm>>, %arg5: memref<32x48xf32, #tpu.memory_space<hbm>>, %arg6: memref<192xf32, #tpu.memory_space<vmem>>, %arg7: memref<128xi32, #tpu.memory_space<vmem>>, %arg8: memref<32xi32, #tpu.memory_space<vmem>>, %arg9: memref<16xi32, #tpu.memory_space<vmem>>, %arg10: memref<32xf32, #tpu.memory_space<vmem>>, %arg11: memref<16xf32, #tpu.memory_space<vmem>>, %arg12: memref<48xf32, #tpu.memory_space<vmem>>, %arg13: memref<!tpu.dma_semaphore, #tpu.memory_space<semaphore_mem>>, %arg14: memref<!tpu.dma_semaphore, #tpu.memory_space<semaphore_mem>>) attributes {dimension_semantics = [#tpu.dimension_semantics<core_parallel>, #tpu.dimension_semantics<subcore_parallel>], iteration_bounds = array<i64: 2, 16>, scalar_prefetch = 0 : i64, scratch_operands = 9 : i64, tpu.core_type = #tpu.core_type<sc_vector_subcore>, window_params = [{transform_indices = #map}, {transform_indices = #map}, {transform_indices = #map}, {transform_indices = #map1}]} {
    %mul3A = arith.constant 2 : i32
    %mul3A_0 = arith.muli %arg1, %mul3A : i32
    %add3A = arith.addi %mul3A_0, %arg0 : i32
    %jit3A = arith.constant 4 : i32
    %div3A = arith.divsi %add3A, %jit3A : i32
    %sign3A = arith.constant 0 : i32
    %sign3A_1 = arith.cmpi sgt, %add3A, %sign3A : i32
    %sign3A_2 = arith.extui %sign3A_1 : i1 to i32
    %sign3A_3 = arith.constant 0 : i32
    %sign3A_4 = arith.cmpi slt, %add3A, %sign3A_3 : i32
    %sign3A_5 = arith.extui %sign3A_4 : i1 to i32
    %sign3A_6 = arith.subi %sign3A_2, %sign3A_5 : i32
    %sign3A_7 = arith.constant 0 : i32
    %sign3A_8 = arith.cmpi sgt, %jit3A, %sign3A_7 : i32
    %sign3A_9 = arith.extui %sign3A_8 : i1 to i32
    %sign3A_10 = arith.constant 0 : i32
    %sign3A_11 = arith.cmpi slt, %jit3A, %sign3A_10 : i32
    %sign3A_12 = arith.extui %sign3A_11 : i1 to i32
    %sign3A_13 = arith.subi %sign3A_9, %sign3A_12 : i32
    %ne3A = arith.cmpi ne, %sign3A_6, %sign3A_13 : i32
    %rem3A = arith.remsi %add3A, %jit3A : i32
    %ne3A_14 = arith.constant 0 : i32
    %ne3A_15 = arith.cmpi ne, %rem3A, %ne3A_14 : i32
    %and3A = arith.andi %ne3A, %ne3A_15 : i1
    %sub3A = arith.constant 1 : i32
    %sub3A_16 = arith.subi %div3A, %sub3A : i32
    %select_n3A = arith.select %and3A, %sub3A_16, %div3A : i32
    %jit3A_17 = arith.constant 4 : i32
    %eq3A = arith.constant 0 : i32
    %eq3A_18 = arith.cmpi eq, %jit3A_17, %eq3A : i32
    %jit3A_19 = arith.constant 1 : i32
    %select_n3A_20 = arith.select %eq3A_18, %jit3A_19, %jit3A_17 : i32
    %rem3A_21 = arith.remsi %add3A, %select_n3A_20 : i32
    %ne3A_22 = arith.constant 0 : i32
    %ne3A_23 = arith.cmpi ne, %rem3A_21, %ne3A_22 : i32
    %lt3A = arith.constant 0 : i32
    %lt3A_24 = arith.cmpi slt, %rem3A_21, %lt3A : i32
    %lt3A_25 = arith.constant 0 : i32
    %lt3A_26 = arith.cmpi slt, %select_n3A_20, %lt3A_25 : i32
    %ne3A_27 = arith.xori %lt3A_24, %lt3A_26 : i1
    %and3A_28 = arith.andi %ne3A_27, %ne3A_23 : i1
    %add3A_29 = arith.addi %rem3A_21, %select_n3A_20 : i32
    %select_n3A_30 = arith.select %and3A_28, %add3A_29, %rem3A_21 : i32
    %mul3A_31 = arith.constant 16 : i32
    %mul3A_32 = arith.muli %select_n3A_30, %mul3A_31 : i32
    %mul3A_33 = arith.constant 192 : i32
    %mul3A_34 = arith.muli %select_n3A, %mul3A_33 : i32
    "tpu.region"() ({
      %run_scoped3A = tpu.sem_alloc : memref<!tpu.dma_semaphore, #tpu.memory_space<semaphore_mem>>
      %dma_start3A_556 = tpu.memref_slice %arg2[%mul3A_34] : memref<1536xf32, #tpu.memory_space<hbm>> -> memref<192xf32, #tpu.memory_space<hbm>>
      %dma_start3A_557 = tpu.memref_slice %arg2[%mul3A_34] : memref<1536xf32, #tpu.memory_space<hbm>> -> memref<192xf32, #tpu.memory_space<hbm>>
      tpu.enqueue_dma source(%dma_start3A_557 : memref<192xf32, #tpu.memory_space<hbm>>) target(%arg6 : memref<192xf32, #tpu.memory_space<vmem>>) target_semaphore(%run_scoped3A : memref<!tpu.dma_semaphore, #tpu.memory_space<semaphore_mem>>)
      %dma_wait3A_558 = tpu.memref_slice %arg2[%mul3A_34] : memref<1536xf32, #tpu.memory_space<hbm>> -> memref<192xf32, #tpu.memory_space<hbm>>
      %dma_wait3A_559 = tpu.memref_slice %arg2[%mul3A_34] : memref<1536xf32, #tpu.memory_space<hbm>> -> memref<192xf32, #tpu.memory_space<hbm>>
      tpu.wait_dma2 semaphore(%run_scoped3A : memref<!tpu.dma_semaphore, #tpu.memory_space<semaphore_mem>>) src(%dma_wait3A_559 : memref<192xf32, #tpu.memory_space<hbm>>) dst(%arg6 : memref<192xf32, #tpu.memory_space<vmem>>)
      tpu.yield
    }) : () -> ()
    %iota3A = tpu.iota {dimensions = array<i32: 0>} : vector<16xi32>
    %get3A = arith.index_cast %mul3A_32 : i32 to index
    %get3A_35 = tpu.vector_load %arg6[%get3A] {strides = array<i32>} : memref<192xf32, #tpu.memory_space<vmem>>, vector<16xf32>,
    %get3A_36 = vector.shape_cast %get3A_35 : vector<16xf32> to vector<16xf32>
    %mul3A_37 = arith.constant 2.550000e+02 : f32
    %mul3A_38 = vector.broadcast %mul3A_37 : f32 to vector<16xf32>
    %mul3A_39 = arith.mulf %get3A_36, %mul3A_38 : vector<16xf32>
    %add3A_40 = arith.constant 64 : i32
    %add3A_41 = arith.addi %add3A_40, %mul3A_32 : i32
    %get3A_42 = arith.index_cast %add3A_41 : i32 to index
    %get3A_43 = tpu.vector_load %arg6[%get3A_42] {strides = array<i32>} : memref<192xf32, #tpu.memory_space<vmem>>, vector<16xf32>,
    %get3A_44 = vector.shape_cast %get3A_43 : vector<16xf32> to vector<16xf32>
    %mul3A_45 = arith.constant 2.550000e+02 : f32
    %mul3A_46 = vector.broadcast %mul3A_45 : f32 to vector<16xf32>
    %mul3A_47 = arith.mulf %get3A_44, %mul3A_46 : vector<16xf32>
    %add3A_48 = arith.constant 128 : i32
    %add3A_49 = arith.addi %add3A_48, %mul3A_32 : i32
    %get3A_50 = arith.index_cast %add3A_49 : i32 to index
    %get3A_51 = tpu.vector_load %arg6[%get3A_50] {strides = array<i32>} : memref<192xf32, #tpu.memory_space<vmem>>, vector<16xf32>,
    %get3A_52 = vector.shape_cast %get3A_51 : vector<16xf32> to vector<16xf32>
    %get3A_53 = arith.index_cast %mul3A_32 : i32 to index
    %get3A_54 = tpu.vector_load %arg6[%get3A_53] {strides = array<i32>} : memref<192xf32, #tpu.memory_space<vmem>>, vector<16xf32>,
    %get3A_55 = vector.shape_cast %get3A_54 : vector<16xf32> to vector<16xf32>
    %mul3A_56 = arith.constant 2.550000e+02 : f32
    %mul3A_57 = vector.broadcast %mul3A_56 : f32 to vector<16xf32>
    %mul3A_58 = arith.mulf %get3A_55, %mul3A_57 : vector<16xf32>
    %convert_element_type3A = arith.fptosi %mul3A_58 : vector<16xf32> to vector<16xi32>
    %convert_element_type3A_59 = arith.sitofp %convert_element_type3A : vector<16xi32> to vector<16xf32>
    %sub3A_60 = arith.subf %mul3A_58, %convert_element_type3A_59 : vector<16xf32>
    %gt3A = arith.constant 5.000000e-01 : f32
    %gt3A_61 = vector.broadcast %gt3A : f32 to vector<16xf32>
    %gt3A_62 = arith.cmpf ogt, %sub3A_60, %gt3A_61 : vector<16xf32>
    %eq3A_63 = arith.constant 5.000000e-01 : f32
    %eq3A_64 = vector.broadcast %eq3A_63 : f32 to vector<16xf32>
    %eq3A_65 = arith.cmpf oeq, %sub3A_60, %eq3A_64 : vector<16xf32>
    %and3A_66 = arith.constant 1 : i32
    %and3A_67 = vector.broadcast %and3A_66 : i32 to vector<16xi32>
    %and3A_68 = arith.andi %convert_element_type3A, %and3A_67 : vector<16xi32>
    %eq3A_69 = arith.constant 1 : i32
    %eq3A_70 = vector.broadcast %eq3A_69 : i32 to vector<16xi32>
    %eq3A_71 = arith.cmpi eq, %and3A_68, %eq3A_70 : vector<16xi32>
    %and3A_72 = arith.andi %eq3A_65, %eq3A_71 : vector<16xi1>
    %or3A = arith.ori %gt3A_62, %and3A_72 : vector<16xi1>
    %jit3A_73 = arith.constant 1 : i32
    %jit3A_74 = arith.constant 0 : i32
    %broadcast_in_dim3A = vector.broadcast %jit3A_73 : i32 to vector<16xi32>
    %broadcast_in_dim3A_75 = vector.broadcast %jit3A_74 : i32 to vector<16xi32>
    %select_n3A_76 = arith.select %or3A, %broadcast_in_dim3A, %broadcast_in_dim3A_75 : vector<16xi1>, vector<16xi32>
    %add3A_77 = arith.addi %convert_element_type3A, %select_n3A_76 : vector<16xi32>
    %jit3A_78 = arith.constant 0 : i32
    %jit3A_79 = arith.constant 255 : i32
    %max3A = vector.broadcast %jit3A_78 : i32 to vector<16xi32>
    %max3A_80 = arith.maxsi %max3A, %add3A_77 : vector<16xi32>
    %min3A = vector.broadcast %jit3A_79 : i32 to vector<16xi32>
    %min3A_81 = arith.minsi %min3A, %max3A_80 : vector<16xi32>
    %add3A_82 = arith.constant 64 : i32
    %add3A_83 = arith.addi %add3A_82, %mul3A_32 : i32
    %get3A_84 = arith.index_cast %add3A_83 : i32 to index
    %get3A_85 = tpu.vector_load %arg6[%get3A_84] {strides = array<i32>} : memref<192xf32, #tpu.memory_space<vmem>>, vector<16xf32>,
    %get3A_86 = vector.shape_cast %get3A_85 : vector<16xf32> to vector<16xf32>
    %mul3A_87 = arith.constant 2.550000e+02 : f32
    %mul3A_88 = vector.broadcast %mul3A_87 : f32 to vector<16xf32>
    %mul3A_89 = arith.mulf %get3A_86, %mul3A_88 : vector<16xf32>
    %convert_element_type3A_90 = arith.fptosi %mul3A_89 : vector<16xf32> to vector<16xi32>
    %convert_element_type3A_91 = arith.sitofp %convert_element_type3A_90 : vector<16xi32> to vector<16xf32>
    %sub3A_92 = arith.subf %mul3A_89, %convert_element_type3A_91 : vector<16xf32>
    %gt3A_93 = arith.constant 5.000000e-01 : f32
    %gt3A_94 = vector.broadcast %gt3A_93 : f32 to vector<16xf32>
    %gt3A_95 = arith.cmpf ogt, %sub3A_92, %gt3A_94 : vector<16xf32>
    %eq3A_96 = arith.constant 5.000000e-01 : f32
    %eq3A_97 = vector.broadcast %eq3A_96 : f32 to vector<16xf32>
    %eq3A_98 = arith.cmpf oeq, %sub3A_92, %eq3A_97 : vector<16xf32>
    %and3A_99 = arith.constant 1 : i32
    %and3A_100 = vector.broadcast %and3A_99 : i32 to vector<16xi32>
    %and3A_101 = arith.andi %convert_element_type3A_90, %and3A_100 : vector<16xi32>
    %eq3A_102 = arith.constant 1 : i32
    %eq3A_103 = vector.broadcast %eq3A_102 : i32 to vector<16xi32>
    %eq3A_104 = arith.cmpi eq, %and3A_101, %eq3A_103 : vector<16xi32>
    %and3A_105 = arith.andi %eq3A_98, %eq3A_104 : vector<16xi1>
    %or3A_106 = arith.ori %gt3A_95, %and3A_105 : vector<16xi1>
    %jit3A_107 = arith.constant 1 : i32
    %jit3A_108 = arith.constant 0 : i32
    %broadcast_in_dim3A_109 = vector.broadcast %jit3A_107 : i32 to vector<16xi32>
    %broadcast_in_dim3A_110 = vector.broadcast %jit3A_108 : i32 to vector<16xi32>
    %select_n3A_111 = arith.select %or3A_106, %broadcast_in_dim3A_109, %broadcast_in_dim3A_110 : vector<16xi1>, vector<16xi32>
    %add3A_112 = arith.addi %convert_element_type3A_90, %select_n3A_111 : vector<16xi32>
    %jit3A_113 = arith.constant 0 : i32
    %jit3A_114 = arith.constant 255 : i32
    %max3A_115 = vector.broadcast %jit3A_113 : i32 to vector<16xi32>
    %max3A_116 = arith.maxsi %max3A_115, %add3A_112 : vector<16xi32>
    %min3A_117 = vector.broadcast %jit3A_114 : i32 to vector<16xi32>
    %min3A_118 = arith.minsi %min3A_117, %max3A_116 : vector<16xi32>
    %convert_element_type3A_119 = arith.sitofp %min3A_81 : vector<16xi32> to vector<16xf32>
    %sub3A_120 = arith.subf %mul3A_39, %convert_element_type3A_119 : vector<16xf32>
    %convert_element_type3A_121 = arith.sitofp %min3A_118 : vector<16xi32> to vector<16xf32>
    %sub3A_122 = arith.subf %mul3A_47, %convert_element_type3A_121 : vector<16xf32>
    %mul3A_123 = arith.constant 256 : i32
    %mul3A_124 = vector.broadcast %mul3A_123 : i32 to vector<16xi32>
    %mul3A_125 = arith.muli %min3A_118, %mul3A_124 : vector<16xi32>
    %add3A_126 = arith.addi %mul3A_125, %min3A_81 : vector<16xi32>
    %mul3A_127 = arith.constant 256 : i32
    %mul3A_128 = vector.broadcast %mul3A_127 : i32 to vector<16xi32>
    %mul3A_129 = arith.muli %min3A_118, %mul3A_128 : vector<16xi32>
    %add3A_130 = arith.addi %mul3A_129, %min3A_81 : vector<16xi32>
    %mul3A_131 = arith.constant 2 : i32
    %mul3A_132 = arith.muli %mul3A_131, %select_n3A : i32
    %mul3A_133 = arith.constant 65536 : i32
    %mul3A_134 = arith.muli %mul3A_132, %mul3A_133 : i32
    %add3A_135 = vector.broadcast %mul3A_134 : i32 to vector<16xi32>
    %add3A_136 = arith.addi %add3A_135, %add3A_130 : vector<16xi32>
    %swap3A = arith.constant 0 : index
    %swap3A_137 = tpu.vector_load %arg8[%swap3A] {strides = array<i32>} : memref<32xi32, #tpu.memory_space<vmem>>, vector<16xi32>,
    %swap3A_138 = vector.shape_cast %swap3A_137 : vector<16xi32> to vector<16xi32>
    %swap3A_139 = vector.shape_cast %add3A_136 : vector<16xi32> to vector<16xi32>
    tpu.vector_store %arg8[%swap3A], %swap3A_139 {strides = array<i32>} : memref<32xi32, #tpu.memory_space<vmem>>, vector<16xi32>,
    %add3A_140 = arith.constant 65536 : i32
    %add3A_141 = arith.addi %mul3A_134, %add3A_140 : i32
    %add3A_142 = vector.broadcast %add3A_141 : i32 to vector<16xi32>
    %add3A_143 = arith.addi %add3A_142, %add3A_130 : vector<16xi32>
    %swap3A_144 = arith.constant 16 : index
    %swap3A_145 = tpu.vector_load %arg8[%swap3A_144] {strides = array<i32>} : memref<32xi32, #tpu.memory_space<vmem>>, vector<16xi32>,
    %swap3A_146 = vector.shape_cast %swap3A_145 : vector<16xi32> to vector<16xi32>
    %swap3A_147 = vector.shape_cast %add3A_143 : vector<16xi32> to vector<16xi32>
    tpu.vector_store %arg8[%swap3A_144], %swap3A_147 {strides = array<i32>} : memref<32xi32, #tpu.memory_space<vmem>>, vector<16xi32>,
    %mul3A_148 = arith.constant 65536 : i32
    %mul3A_149 = arith.muli %select_n3A, %mul3A_148 : i32
    %add3A_150 = vector.broadcast %mul3A_149 : i32 to vector<16xi32>
    %add3A_151 = arith.addi %add3A_150, %add3A_130 : vector<16xi32>
    %swap3A_152 = arith.constant 0 : index
    %swap3A_153 = tpu.vector_load %arg9[%swap3A_152] {strides = array<i32>} : memref<16xi32, #tpu.memory_space<vmem>>, vector<16xi32>,
    %swap3A_154 = vector.shape_cast %swap3A_153 : vector<16xi32> to vector<16xi32>
    %swap3A_155 = vector.shape_cast %add3A_151 : vector<16xi32> to vector<16xi32>
    tpu.vector_store %arg9[%swap3A_152], %swap3A_155 {strides = array<i32>} : memref<16xi32, #tpu.memory_space<vmem>>, vector<16xi32>,
    %dma_start3A = arith.constant 0 : i32
    %dma_start3A_156 = tpu.memref_slice %arg3[%dma_start3A] : memref<1048576xf32, #tpu.memory_space<hbm>> -> memref<1048576xf32, #tpu.memory_space<hbm>>
    tpu.enqueue_indirect_dma source(%dma_start3A_156 : memref<1048576xf32, #tpu.memory_space<hbm>>) target(%arg10 : memref<32xf32, #tpu.memory_space<vmem>>) offsets(%arg8 : memref<32xi32, #tpu.memory_space<vmem>>) semaphore(%arg13 : memref<!tpu.dma_semaphore, #tpu.memory_space<semaphore_mem>>)
    %dma_start3A_157 = arith.constant 0 : i32
    %dma_start3A_158 = tpu.memref_slice %arg4[%dma_start3A_157] : memref<524288xf32, #tpu.memory_space<hbm>> -> memref<524288xf32, #tpu.memory_space<hbm>>
    tpu.enqueue_indirect_dma source(%dma_start3A_158 : memref<524288xf32, #tpu.memory_space<hbm>>) target(%arg11 : memref<16xf32, #tpu.memory_space<vmem>>) offsets(%arg9 : memref<16xi32, #tpu.memory_space<vmem>>) semaphore(%arg14 : memref<!tpu.dma_semaphore, #tpu.memory_space<semaphore_mem>>)
    %get3A_159 = arith.constant 0 : index
    %get3A_160 = tpu.vector_load %arg6[%get3A_159] {strides = array<i32>} : memref<192xf32, #tpu.memory_space<vmem>>, vector<16xf32>,
    %get3A_161 = vector.shape_cast %get3A_160 : vector<16xf32> to vector<16xf32>
    %mul3A_162 = arith.constant 2.550000e+02 : f32
    %mul3A_163 = vector.broadcast %mul3A_162 : f32 to vector<16xf32>
    %mul3A_164 = arith.mulf %get3A_161, %mul3A_163 : vector<16xf32>
    %convert_element_type3A_165 = arith.fptosi %mul3A_164 : vector<16xf32> to vector<16xi32>
    %convert_element_type3A_166 = arith.sitofp %convert_element_type3A_165 : vector<16xi32> to vector<16xf32>
    %sub3A_167 = arith.subf %mul3A_164, %convert_element_type3A_166 : vector<16xf32>
    %gt3A_168 = arith.constant 5.000000e-01 : f32
    %gt3A_169 = vector.broadcast %gt3A_168 : f32 to vector<16xf32>
    %gt3A_170 = arith.cmpf ogt, %sub3A_167, %gt3A_169 : vector<16xf32>
    %eq3A_171 = arith.constant 5.000000e-01 : f32
    %eq3A_172 = vector.broadcast %eq3A_171 : f32 to vector<16xf32>
    %eq3A_173 = arith.cmpf oeq, %sub3A_167, %eq3A_172 : vector<16xf32>
    %and3A_174 = arith.constant 1 : i32
    %and3A_175 = vector.broadcast %and3A_174 : i32 to vector<16xi32>
    %and3A_176 = arith.andi %convert_element_type3A_165, %and3A_175 : vector<16xi32>
    %eq3A_177 = arith.constant 1 : i32
    %eq3A_178 = vector.broadcast %eq3A_177 : i32 to vector<16xi32>
    %eq3A_179 = arith.cmpi eq, %and3A_176, %eq3A_178 : vector<16xi32>
    %and3A_180 = arith.andi %eq3A_173, %eq3A_179 : vector<16xi1>
    %or3A_181 = arith.ori %gt3A_170, %and3A_180 : vector<16xi1>
    %jit3A_182 = arith.constant 1 : i32
    %jit3A_183 = arith.constant 0 : i32
    %broadcast_in_dim3A_184 = vector.broadcast %jit3A_182 : i32 to vector<16xi32>
    %broadcast_in_dim3A_185 = vector.broadcast %jit3A_183 : i32 to vector<16xi32>
    %select_n3A_186 = arith.select %or3A_181, %broadcast_in_dim3A_184, %broadcast_in_dim3A_185 : vector<16xi1>, vector<16xi32>
    %add3A_187 = arith.addi %convert_element_type3A_165, %select_n3A_186 : vector<16xi32>
    %jit3A_188 = arith.constant 0 : i32
    %jit3A_189 = arith.constant 255 : i32
    %max3A_190 = vector.broadcast %jit3A_188 : i32 to vector<16xi32>
    %max3A_191 = arith.maxsi %max3A_190, %add3A_187 : vector<16xi32>
    %min3A_192 = vector.broadcast %jit3A_189 : i32 to vector<16xi32>
    %min3A_193 = arith.minsi %min3A_192, %max3A_191 : vector<16xi32>
    %get3A_194 = arith.constant 64 : index
    %get3A_195 = tpu.vector_load %arg6[%get3A_194] {strides = array<i32>} : memref<192xf32, #tpu.memory_space<vmem>>, vector<16xf32>,
    %get3A_196 = vector.shape_cast %get3A_195 : vector<16xf32> to vector<16xf32>
    %mul3A_197 = arith.constant 2.550000e+02 : f32
    %mul3A_198 = vector.broadcast %mul3A_197 : f32 to vector<16xf32>
    %mul3A_199 = arith.mulf %get3A_196, %mul3A_198 : vector<16xf32>
    %convert_element_type3A_200 = arith.fptosi %mul3A_199 : vector<16xf32> to vector<16xi32>
    %convert_element_type3A_201 = arith.sitofp %convert_element_type3A_200 : vector<16xi32> to vector<16xf32>
    %sub3A_202 = arith.subf %mul3A_199, %convert_element_type3A_201 : vector<16xf32>
    %gt3A_203 = arith.constant 5.000000e-01 : f32
    %gt3A_204 = vector.broadcast %gt3A_203 : f32 to vector<16xf32>
    %gt3A_205 = arith.cmpf ogt, %sub3A_202, %gt3A_204 : vector<16xf32>
    %eq3A_206 = arith.constant 5.000000e-01 : f32
    %eq3A_207 = vector.broadcast %eq3A_206 : f32 to vector<16xf32>
    %eq3A_208 = arith.cmpf oeq, %sub3A_202, %eq3A_207 : vector<16xf32>
    %and3A_209 = arith.constant 1 : i32
    %and3A_210 = vector.broadcast %and3A_209 : i32 to vector<16xi32>
    %and3A_211 = arith.andi %convert_element_type3A_200, %and3A_210 : vector<16xi32>
    %eq3A_212 = arith.constant 1 : i32
    %eq3A_213 = vector.broadcast %eq3A_212 : i32 to vector<16xi32>
    %eq3A_214 = arith.cmpi eq, %and3A_211, %eq3A_213 : vector<16xi32>
    %and3A_215 = arith.andi %eq3A_208, %eq3A_214 : vector<16xi1>
    %or3A_216 = arith.ori %gt3A_205, %and3A_215 : vector<16xi1>
    %jit3A_217 = arith.constant 1 : i32
    %jit3A_218 = arith.constant 0 : i32
    %broadcast_in_dim3A_219 = vector.broadcast %jit3A_217 : i32 to vector<16xi32>
    %broadcast_in_dim3A_220 = vector.broadcast %jit3A_218 : i32 to vector<16xi32>
    %select_n3A_221 = arith.select %or3A_216, %broadcast_in_dim3A_219, %broadcast_in_dim3A_220 : vector<16xi1>, vector<16xi32>
    %add3A_222 = arith.addi %convert_element_type3A_200, %select_n3A_221 : vector<16xi32>
    %jit3A_223 = arith.constant 0 : i32
    %jit3A_224 = arith.constant 255 : i32
    %max3A_225 = vector.broadcast %jit3A_223 : i32 to vector<16xi32>
    %max3A_226 = arith.maxsi %max3A_225, %add3A_222 : vector<16xi32>
    %min3A_227 = vector.broadcast %jit3A_224 : i32 to vector<16xi32>
    %min3A_228 = arith.minsi %min3A_227, %max3A_226 : vector<16xi32>
    %mul3A_229 = arith.constant 256 : i32
    %mul3A_230 = vector.broadcast %mul3A_229 : i32 to vector<16xi32>
    %mul3A_231 = arith.muli %min3A_228, %mul3A_230 : vector<16xi32>
    %add3A_232 = arith.addi %mul3A_231, %min3A_193 : vector<16xi32>
    %swap3A_233 = arith.constant 0 : index
    %swap3A_234 = tpu.vector_load %arg7[%swap3A_233] {strides = array<i32>} : memref<128xi32, #tpu.memory_space<vmem>>, vector<16xi32>,
    %swap3A_235 = vector.shape_cast %swap3A_234 : vector<16xi32> to vector<16xi32>
    %swap3A_236 = vector.shape_cast %add3A_232 : vector<16xi32> to vector<16xi32>
    tpu.vector_store %arg7[%swap3A_233], %swap3A_236 {strides = array<i32>} : memref<128xi32, #tpu.memory_space<vmem>>, vector<16xi32>,
    %get3A_237 = arith.constant 16 : index
    %get3A_238 = tpu.vector_load %arg6[%get3A_237] {strides = array<i32>} : memref<192xf32, #tpu.memory_space<vmem>>, vector<16xf32>,
    %get3A_239 = vector.shape_cast %get3A_238 : vector<16xf32> to vector<16xf32>
    %mul3A_240 = arith.constant 2.550000e+02 : f32
    %mul3A_241 = vector.broadcast %mul3A_240 : f32 to vector<16xf32>
    %mul3A_242 = arith.mulf %get3A_239, %mul3A_241 : vector<16xf32>
    %convert_element_type3A_243 = arith.fptosi %mul3A_242 : vector<16xf32> to vector<16xi32>
    %convert_element_type3A_244 = arith.sitofp %convert_element_type3A_243 : vector<16xi32> to vector<16xf32>
    %sub3A_245 = arith.subf %mul3A_242, %convert_element_type3A_244 : vector<16xf32>
    %gt3A_246 = arith.constant 5.000000e-01 : f32
    %gt3A_247 = vector.broadcast %gt3A_246 : f32 to vector<16xf32>
    %gt3A_248 = arith.cmpf ogt, %sub3A_245, %gt3A_247 : vector<16xf32>
    %eq3A_249 = arith.constant 5.000000e-01 : f32
    %eq3A_250 = vector.broadcast %eq3A_249 : f32 to vector<16xf32>
    %eq3A_251 = arith.cmpf oeq, %sub3A_245, %eq3A_250 : vector<16xf32>
    %and3A_252 = arith.constant 1 : i32
    %and3A_253 = vector.broadcast %and3A_252 : i32 to vector<16xi32>
    %and3A_254 = arith.andi %convert_element_type3A_243, %and3A_253 : vector<16xi32>
    %eq3A_255 = arith.constant 1 : i32
    %eq3A_256 = vector.broadcast %eq3A_255 : i32 to vector<16xi32>
    %eq3A_257 = arith.cmpi eq, %and3A_254, %eq3A_256 : vector<16xi32>
    %and3A_258 = arith.andi %eq3A_251, %eq3A_257 : vector<16xi1>
    %or3A_259 = arith.ori %gt3A_248, %and3A_258 : vector<16xi1>
    %jit3A_260 = arith.constant 1 : i32
    %jit3A_261 = arith.constant 0 : i32
    %broadcast_in_dim3A_262 = vector.broadcast %jit3A_260 : i32 to vector<16xi32>
    %broadcast_in_dim3A_263 = vector.broadcast %jit3A_261 : i32 to vector<16xi32>
    %select_n3A_264 = arith.select %or3A_259, %broadcast_in_dim3A_262, %broadcast_in_dim3A_263 : vector<16xi1>, vector<16xi32>
    %add3A_265 = arith.addi %convert_element_type3A_243, %select_n3A_264 : vector<16xi32>
    %jit3A_266 = arith.constant 0 : i32
    %jit3A_267 = arith.constant 255 : i32
    %max3A_268 = vector.broadcast %jit3A_266 : i32 to vector<16xi32>
    %max3A_269 = arith.maxsi %max3A_268, %add3A_265 : vector<16xi32>
    %min3A_270 = vector.broadcast %jit3A_267 : i32 to vector<16xi32>
    %min3A_271 = arith.minsi %min3A_270, %max3A_269 : vector<16xi32>
    %get3A_272 = arith.constant 80 : index
    %get3A_273 = tpu.vector_load %arg6[%get3A_272] {strides = array<i32>} : memref<192xf32, #tpu.memory_space<vmem>>, vector<16xf32>,
    %get3A_274 = vector.shape_cast %get3A_273 : vector<16xf32> to vector<16xf32>
    %mul3A_275 = arith.constant 2.550000e+02 : f32
    %mul3A_276 = vector.broadcast %mul3A_275 : f32 to vector<16xf32>
    %mul3A_277 = arith.mulf %get3A_274, %mul3A_276 : vector<16xf32>
    %convert_element_type3A_278 = arith.fptosi %mul3A_277 : vector<16xf32> to vector<16xi32>
    %convert_element_type3A_279 = arith.sitofp %convert_element_type3A_278 : vector<16xi32> to vector<16xf32>
    %sub3A_280 = arith.subf %mul3A_277, %convert_element_type3A_279 : vector<16xf32>
    %gt3A_281 = arith.constant 5.000000e-01 : f32
    %gt3A_282 = vector.broadcast %gt3A_281 : f32 to vector<16xf32>
    %gt3A_283 = arith.cmpf ogt, %sub3A_280, %gt3A_282 : vector<16xf32>
    %eq3A_284 = arith.constant 5.000000e-01 : f32
    %eq3A_285 = vector.broadcast %eq3A_284 : f32 to vector<16xf32>
    %eq3A_286 = arith.cmpf oeq, %sub3A_280, %eq3A_285 : vector<16xf32>
    %and3A_287 = arith.constant 1 : i32
    %and3A_288 = vector.broadcast %and3A_287 : i32 to vector<16xi32>
    %and3A_289 = arith.andi %convert_element_type3A_278, %and3A_288 : vector<16xi32>
    %eq3A_290 = arith.constant 1 : i32
    %eq3A_291 = vector.broadcast %eq3A_290 : i32 to vector<16xi32>
    %eq3A_292 = arith.cmpi eq, %and3A_289, %eq3A_291 : vector<16xi32>
    %and3A_293 = arith.andi %eq3A_286, %eq3A_292 : vector<16xi1>
    %or3A_294 = arith.ori %gt3A_283, %and3A_293 : vector<16xi1>
    %jit3A_295 = arith.constant 1 : i32
    %jit3A_296 = arith.constant 0 : i32
    %broadcast_in_dim3A_297 = vector.broadcast %jit3A_295 : i32 to vector<16xi32>
    %broadcast_in_dim3A_298 = vector.broadcast %jit3A_296 : i32 to vector<16xi32>
    %select_n3A_299 = arith.select %or3A_294, %broadcast_in_dim3A_297, %broadcast_in_dim3A_298 : vector<16xi1>, vector<16xi32>
    %add3A_300 = arith.addi %convert_element_type3A_278, %select_n3A_299 : vector<16xi32>
    %jit3A_301 = arith.constant 0 : i32
    %jit3A_302 = arith.constant 255 : i32
    %max3A_303 = vector.broadcast %jit3A_301 : i32 to vector<16xi32>
    %max3A_304 = arith.maxsi %max3A_303, %add3A_300 : vector<16xi32>
    %min3A_305 = vector.broadcast %jit3A_302 : i32 to vector<16xi32>
    %min3A_306 = arith.minsi %min3A_305, %max3A_304 : vector<16xi32>
    %mul3A_307 = arith.constant 256 : i32
    %mul3A_308 = vector.broadcast %mul3A_307 : i32 to vector<16xi32>
    %mul3A_309 = arith.muli %min3A_306, %mul3A_308 : vector<16xi32>
    %add3A_310 = arith.addi %mul3A_309, %min3A_271 : vector<16xi32>
    %swap3A_311 = arith.constant 16 : index
    %swap3A_312 = tpu.vector_load %arg7[%swap3A_311] {strides = array<i32>} : memref<128xi32, #tpu.memory_space<vmem>>, vector<16xi32>,
    %swap3A_313 = vector.shape_cast %swap3A_312 : vector<16xi32> to vector<16xi32>
    %swap3A_314 = vector.shape_cast %add3A_310 : vector<16xi32> to vector<16xi32>
    tpu.vector_store %arg7[%swap3A_311], %swap3A_314 {strides = array<i32>} : memref<128xi32, #tpu.memory_space<vmem>>, vector<16xi32>,
    %get3A_315 = arith.constant 32 : index
    %get3A_316 = tpu.vector_load %arg6[%get3A_315] {strides = array<i32>} : memref<192xf32, #tpu.memory_space<vmem>>, vector<16xf32>,
    %get3A_317 = vector.shape_cast %get3A_316 : vector<16xf32> to vector<16xf32>
    %mul3A_318 = arith.constant 2.550000e+02 : f32
    %mul3A_319 = vector.broadcast %mul3A_318 : f32 to vector<16xf32>
    %mul3A_320 = arith.mulf %get3A_317, %mul3A_319 : vector<16xf32>
    %convert_element_type3A_321 = arith.fptosi %mul3A_320 : vector<16xf32> to vector<16xi32>
    %convert_element_type3A_322 = arith.sitofp %convert_element_type3A_321 : vector<16xi32> to vector<16xf32>
    %sub3A_323 = arith.subf %mul3A_320, %convert_element_type3A_322 : vector<16xf32>
    %gt3A_324 = arith.constant 5.000000e-01 : f32
    %gt3A_325 = vector.broadcast %gt3A_324 : f32 to vector<16xf32>
    %gt3A_326 = arith.cmpf ogt, %sub3A_323, %gt3A_325 : vector<16xf32>
    %eq3A_327 = arith.constant 5.000000e-01 : f32
    %eq3A_328 = vector.broadcast %eq3A_327 : f32 to vector<16xf32>
    %eq3A_329 = arith.cmpf oeq, %sub3A_323, %eq3A_328 : vector<16xf32>
    %and3A_330 = arith.constant 1 : i32
    %and3A_331 = vector.broadcast %and3A_330 : i32 to vector<16xi32>
    %and3A_332 = arith.andi %convert_element_type3A_321, %and3A_331 : vector<16xi32>
    %eq3A_333 = arith.constant 1 : i32
    %eq3A_334 = vector.broadcast %eq3A_333 : i32 to vector<16xi32>
    %eq3A_335 = arith.cmpi eq, %and3A_332, %eq3A_334 : vector<16xi32>
    %and3A_336 = arith.andi %eq3A_329, %eq3A_335 : vector<16xi1>
    %or3A_337 = arith.ori %gt3A_326, %and3A_336 : vector<16xi1>
    %jit3A_338 = arith.constant 1 : i32
    %jit3A_339 = arith.constant 0 : i32
    %broadcast_in_dim3A_340 = vector.broadcast %jit3A_338 : i32 to vector<16xi32>
    %broadcast_in_dim3A_341 = vector.broadcast %jit3A_339 : i32 to vector<16xi32>
    %select_n3A_342 = arith.select %or3A_337, %broadcast_in_dim3A_340, %broadcast_in_dim3A_341 : vector<16xi1>, vector<16xi32>
    %add3A_343 = arith.addi %convert_element_type3A_321, %select_n3A_342 : vector<16xi32>
    %jit3A_344 = arith.constant 0 : i32
    %jit3A_345 = arith.constant 255 : i32
    %max3A_346 = vector.broadcast %jit3A_344 : i32 to vector<16xi32>
    %max3A_347 = arith.maxsi %max3A_346, %add3A_343 : vector<16xi32>
    %min3A_348 = vector.broadcast %jit3A_345 : i32 to vector<16xi32>
    %min3A_349 = arith.minsi %min3A_348, %max3A_347 : vector<16xi32>
    %get3A_350 = arith.constant 96 : index
    %get3A_351 = tpu.vector_load %arg6[%get3A_350] {strides = array<i32>} : memref<192xf32, #tpu.memory_space<vmem>>, vector<16xf32>,
    %get3A_352 = vector.shape_cast %get3A_351 : vector<16xf32> to vector<16xf32>
    %mul3A_353 = arith.constant 2.550000e+02 : f32
    %mul3A_354 = vector.broadcast %mul3A_353 : f32 to vector<16xf32>
    %mul3A_355 = arith.mulf %get3A_352, %mul3A_354 : vector<16xf32>
    %convert_element_type3A_356 = arith.fptosi %mul3A_355 : vector<16xf32> to vector<16xi32>
    %convert_element_type3A_357 = arith.sitofp %convert_element_type3A_356 : vector<16xi32> to vector<16xf32>
    %sub3A_358 = arith.subf %mul3A_355, %convert_element_type3A_357 : vector<16xf32>
    %gt3A_359 = arith.constant 5.000000e-01 : f32
    %gt3A_360 = vector.broadcast %gt3A_359 : f32 to vector<16xf32>
    %gt3A_361 = arith.cmpf ogt, %sub3A_358, %gt3A_360 : vector<16xf32>
    %eq3A_362 = arith.constant 5.000000e-01 : f32
    %eq3A_363 = vector.broadcast %eq3A_362 : f32 to vector<16xf32>
    %eq3A_364 = arith.cmpf oeq, %sub3A_358, %eq3A_363 : vector<16xf32>
    %and3A_365 = arith.constant 1 : i32
    %and3A_366 = vector.broadcast %and3A_365 : i32 to vector<16xi32>
    %and3A_367 = arith.andi %convert_element_type3A_356, %and3A_366 : vector<16xi32>
    %eq3A_368 = arith.constant 1 : i32
    %eq3A_369 = vector.broadcast %eq3A_368 : i32 to vector<16xi32>
    %eq3A_370 = arith.cmpi eq, %and3A_367, %eq3A_369 : vector<16xi32>
    %and3A_371 = arith.andi %eq3A_364, %eq3A_370 : vector<16xi1>
    %or3A_372 = arith.ori %gt3A_361, %and3A_371 : vector<16xi1>
    %jit3A_373 = arith.constant 1 : i32
    %jit3A_374 = arith.constant 0 : i32
    %broadcast_in_dim3A_375 = vector.broadcast %jit3A_373 : i32 to vector<16xi32>
    %broadcast_in_dim3A_376 = vector.broadcast %jit3A_374 : i32 to vector<16xi32>
    %select_n3A_377 = arith.select %or3A_372, %broadcast_in_dim3A_375, %broadcast_in_dim3A_376 : vector<16xi1>, vector<16xi32>
    %add3A_378 = arith.addi %convert_element_type3A_356, %select_n3A_377 : vector<16xi32>
    %jit3A_379 = arith.constant 0 : i32
    %jit3A_380 = arith.constant 255 : i32
    %max3A_381 = vector.broadcast %jit3A_379 : i32 to vector<16xi32>
    %max3A_382 = arith.maxsi %max3A_381, %add3A_378 : vector<16xi32>
    %min3A_383 = vector.broadcast %jit3A_380 : i32 to vector<16xi32>
    %min3A_384 = arith.minsi %min3A_383, %max3A_382 : vector<16xi32>
    %mul3A_385 = arith.constant 256 : i32
    %mul3A_386 = vector.broadcast %mul3A_385 : i32 to vector<16xi32>
    %mul3A_387 = arith.muli %min3A_384, %mul3A_386 : vector<16xi32>
    %add3A_388 = arith.addi %mul3A_387, %min3A_349 : vector<16xi32>
    %swap3A_389 = arith.constant 32 : index
    %swap3A_390 = tpu.vector_load %arg7[%swap3A_389] {strides = array<i32>} : memref<128xi32, #tpu.memory_space<vmem>>, vector<16xi32>,
    %swap3A_391 = vector.shape_cast %swap3A_390 : vector<16xi32> to vector<16xi32>
    %swap3A_392 = vector.shape_cast %add3A_388 : vector<16xi32> to vector<16xi32>
    tpu.vector_store %arg7[%swap3A_389], %swap3A_392 {strides = array<i32>} : memref<128xi32, #tpu.memory_space<vmem>>, vector<16xi32>,
    %get3A_393 = arith.constant 48 : index
    %get3A_394 = tpu.vector_load %arg6[%get3A_393] {strides = array<i32>} : memref<192xf32, #tpu.memory_space<vmem>>, vector<16xf32>,
    %get3A_395 = vector.shape_cast %get3A_394 : vector<16xf32> to vector<16xf32>
    %mul3A_396 = arith.constant 2.550000e+02 : f32
    %mul3A_397 = vector.broadcast %mul3A_396 : f32 to vector<16xf32>
    %mul3A_398 = arith.mulf %get3A_395, %mul3A_397 : vector<16xf32>
    %convert_element_type3A_399 = arith.fptosi %mul3A_398 : vector<16xf32> to vector<16xi32>
    %convert_element_type3A_400 = arith.sitofp %convert_element_type3A_399 : vector<16xi32> to vector<16xf32>
    %sub3A_401 = arith.subf %mul3A_398, %convert_element_type3A_400 : vector<16xf32>
    %gt3A_402 = arith.constant 5.000000e-01 : f32
    %gt3A_403 = vector.broadcast %gt3A_402 : f32 to vector<16xf32>
    %gt3A_404 = arith.cmpf ogt, %sub3A_401, %gt3A_403 : vector<16xf32>
    %eq3A_405 = arith.constant 5.000000e-01 : f32
    %eq3A_406 = vector.broadcast %eq3A_405 : f32 to vector<16xf32>
    %eq3A_407 = arith.cmpf oeq, %sub3A_401, %eq3A_406 : vector<16xf32>
    %and3A_408 = arith.constant 1 : i32
    %and3A_409 = vector.broadcast %and3A_408 : i32 to vector<16xi32>
    %and3A_410 = arith.andi %convert_element_type3A_399, %and3A_409 : vector<16xi32>
    %eq3A_411 = arith.constant 1 : i32
    %eq3A_412 = vector.broadcast %eq3A_411 : i32 to vector<16xi32>
    %eq3A_413 = arith.cmpi eq, %and3A_410, %eq3A_412 : vector<16xi32>
    %and3A_414 = arith.andi %eq3A_407, %eq3A_413 : vector<16xi1>
    %or3A_415 = arith.ori %gt3A_404, %and3A_414 : vector<16xi1>
    %jit3A_416 = arith.constant 1 : i32
    %jit3A_417 = arith.constant 0 : i32
    %broadcast_in_dim3A_418 = vector.broadcast %jit3A_416 : i32 to vector<16xi32>
    %broadcast_in_dim3A_419 = vector.broadcast %jit3A_417 : i32 to vector<16xi32>
    %select_n3A_420 = arith.select %or3A_415, %broadcast_in_dim3A_418, %broadcast_in_dim3A_419 : vector<16xi1>, vector<16xi32>
    %add3A_421 = arith.addi %convert_element_type3A_399, %select_n3A_420 : vector<16xi32>
    %jit3A_422 = arith.constant 0 : i32
    %jit3A_423 = arith.constant 255 : i32
    %max3A_424 = vector.broadcast %jit3A_422 : i32 to vector<16xi32>
    %max3A_425 = arith.maxsi %max3A_424, %add3A_421 : vector<16xi32>
    %min3A_426 = vector.broadcast %jit3A_423 : i32 to vector<16xi32>
    %min3A_427 = arith.minsi %min3A_426, %max3A_425 : vector<16xi32>
    %get3A_428 = arith.constant 112 : index
    %get3A_429 = tpu.vector_load %arg6[%get3A_428] {strides = array<i32>} : memref<192xf32, #tpu.memory_space<vmem>>, vector<16xf32>,
    %get3A_430 = vector.shape_cast %get3A_429 : vector<16xf32> to vector<16xf32>
    %mul3A_431 = arith.constant 2.550000e+02 : f32
    %mul3A_432 = vector.broadcast %mul3A_431 : f32 to vector<16xf32>
    %mul3A_433 = arith.mulf %get3A_430, %mul3A_432 : vector<16xf32>
    %convert_element_type3A_434 = arith.fptosi %mul3A_433 : vector<16xf32> to vector<16xi32>
    %convert_element_type3A_435 = arith.sitofp %convert_element_type3A_434 : vector<16xi32> to vector<16xf32>
    %sub3A_436 = arith.subf %mul3A_433, %convert_element_type3A_435 : vector<16xf32>
    %gt3A_437 = arith.constant 5.000000e-01 : f32
    %gt3A_438 = vector.broadcast %gt3A_437 : f32 to vector<16xf32>
    %gt3A_439 = arith.cmpf ogt, %sub3A_436, %gt3A_438 : vector<16xf32>
    %eq3A_440 = arith.constant 5.000000e-01 : f32
    %eq3A_441 = vector.broadcast %eq3A_440 : f32 to vector<16xf32>
    %eq3A_442 = arith.cmpf oeq, %sub3A_436, %eq3A_441 : vector<16xf32>
    %and3A_443 = arith.constant 1 : i32
    %and3A_444 = vector.broadcast %and3A_443 : i32 to vector<16xi32>
    %and3A_445 = arith.andi %convert_element_type3A_434, %and3A_444 : vector<16xi32>
    %eq3A_446 = arith.constant 1 : i32
    %eq3A_447 = vector.broadcast %eq3A_446 : i32 to vector<16xi32>
    %eq3A_448 = arith.cmpi eq, %and3A_445, %eq3A_447 : vector<16xi32>
    %and3A_449 = arith.andi %eq3A_442, %eq3A_448 : vector<16xi1>
    %or3A_450 = arith.ori %gt3A_439, %and3A_449 : vector<16xi1>
    %jit3A_451 = arith.constant 1 : i32
    %jit3A_452 = arith.constant 0 : i32
    %broadcast_in_dim3A_453 = vector.broadcast %jit3A_451 : i32 to vector<16xi32>
    %broadcast_in_dim3A_454 = vector.broadcast %jit3A_452 : i32 to vector<16xi32>
    %select_n3A_455 = arith.select %or3A_450, %broadcast_in_dim3A_453, %broadcast_in_dim3A_454 : vector<16xi1>, vector<16xi32>
    %add3A_456 = arith.addi %convert_element_type3A_434, %select_n3A_455 : vector<16xi32>
    %jit3A_457 = arith.constant 0 : i32
    %jit3A_458 = arith.constant 255 : i32
    %max3A_459 = vector.broadcast %jit3A_457 : i32 to vector<16xi32>
    %max3A_460 = arith.maxsi %max3A_459, %add3A_456 : vector<16xi32>
    %min3A_461 = vector.broadcast %jit3A_458 : i32 to vector<16xi32>
    %min3A_462 = arith.minsi %min3A_461, %max3A_460 : vector<16xi32>
    %mul3A_463 = arith.constant 256 : i32
    %mul3A_464 = vector.broadcast %mul3A_463 : i32 to vector<16xi32>
    %mul3A_465 = arith.muli %min3A_462, %mul3A_464 : vector<16xi32>
    %add3A_466 = arith.addi %mul3A_465, %min3A_427 : vector<16xi32>
    %swap3A_467 = arith.constant 48 : index
    %swap3A_468 = tpu.vector_load %arg7[%swap3A_467] {strides = array<i32>} : memref<128xi32, #tpu.memory_space<vmem>>, vector<16xi32>,
    %swap3A_469 = vector.shape_cast %swap3A_468 : vector<16xi32> to vector<16xi32>
    %swap3A_470 = vector.shape_cast %add3A_466 : vector<16xi32> to vector<16xi32>
    tpu.vector_store %arg7[%swap3A_467], %swap3A_470 {strides = array<i32>} : memref<128xi32, #tpu.memory_space<vmem>>, vector<16xi32>,
    %mul3A_471 = arith.constant 0 : i32
    %mul3A_472 = vector.broadcast %mul3A_471 : i32 to vector<16xi32>
    %mul3A_473 = arith.muli %iota3A, %mul3A_472 : vector<16xi32>
    %sub3A_474 = arith.constant 1 : i32
    %sub3A_475 = vector.broadcast %sub3A_474 : i32 to vector<16xi32>
    %sub3A_476 = arith.subi %mul3A_473, %sub3A_475 : vector<16xi32>
    %swap3A_477 = arith.constant 64 : index
    %swap3A_478 = tpu.vector_load %arg7[%swap3A_477] {strides = array<i32>} : memref<128xi32, #tpu.memory_space<vmem>>, vector<16xi32>,
    %swap3A_479 = vector.shape_cast %swap3A_478 : vector<16xi32> to vector<16xi32>
    %swap3A_480 = vector.shape_cast %sub3A_476 : vector<16xi32> to vector<16xi32>
    tpu.vector_store %arg7[%swap3A_477], %swap3A_480 {strides = array<i32>} : memref<128xi32, #tpu.memory_space<vmem>>, vector<16xi32>,
    %mul3A_481 = arith.constant 0 : i32
    %mul3A_482 = vector.broadcast %mul3A_481 : i32 to vector<16xi32>
    %mul3A_483 = arith.muli %iota3A, %mul3A_482 : vector<16xi32>
    %sub3A_484 = arith.constant 1 : i32
    %sub3A_485 = vector.broadcast %sub3A_484 : i32 to vector<16xi32>
    %sub3A_486 = arith.subi %mul3A_483, %sub3A_485 : vector<16xi32>
    %swap3A_487 = arith.constant 80 : index
    %swap3A_488 = tpu.vector_load %arg7[%swap3A_487] {strides = array<i32>} : memref<128xi32, #tpu.memory_space<vmem>>, vector<16xi32>,
    %swap3A_489 = vector.shape_cast %swap3A_488 : vector<16xi32> to vector<16xi32>
    %swap3A_490 = vector.shape_cast %sub3A_486 : vector<16xi32> to vector<16xi32>
    tpu.vector_store %arg7[%swap3A_487], %swap3A_490 {strides = array<i32>} : memref<128xi32, #tpu.memory_space<vmem>>, vector<16xi32>,
    %mul3A_491 = arith.constant 0 : i32
    %mul3A_492 = vector.broadcast %mul3A_491 : i32 to vector<16xi32>
    %mul3A_493 = arith.muli %iota3A, %mul3A_492 : vector<16xi32>
    %sub3A_494 = arith.constant 1 : i32
    %sub3A_495 = vector.broadcast %sub3A_494 : i32 to vector<16xi32>
    %sub3A_496 = arith.subi %mul3A_493, %sub3A_495 : vector<16xi32>
    %swap3A_497 = arith.constant 96 : index
    %swap3A_498 = tpu.vector_load %arg7[%swap3A_497] {strides = array<i32>} : memref<128xi32, #tpu.memory_space<vmem>>, vector<16xi32>,
    %swap3A_499 = vector.shape_cast %swap3A_498 : vector<16xi32> to vector<16xi32>
    %swap3A_500 = vector.shape_cast %sub3A_496 : vector<16xi32> to vector<16xi32>
    tpu.vector_store %arg7[%swap3A_497], %swap3A_500 {strides = array<i32>} : memref<128xi32, #tpu.memory_space<vmem>>, vector<16xi32>,
    %mul3A_501 = arith.constant 0 : i32
    %mul3A_502 = vector.broadcast %mul3A_501 : i32 to vector<16xi32>
    %mul3A_503 = arith.muli %iota3A, %mul3A_502 : vector<16xi32>
    %sub3A_504 = arith.constant 1 : i32
    %sub3A_505 = vector.broadcast %sub3A_504 : i32 to vector<16xi32>
    %sub3A_506 = arith.subi %mul3A_503, %sub3A_505 : vector<16xi32>
    %swap3A_507 = arith.constant 112 : index
    %swap3A_508 = tpu.vector_load %arg7[%swap3A_507] {strides = array<i32>} : memref<128xi32, #tpu.memory_space<vmem>>, vector<16xi32>,
    %swap3A_509 = vector.shape_cast %swap3A_508 : vector<16xi32> to vector<16xi32>
    %swap3A_510 = vector.shape_cast %sub3A_506 : vector<16xi32> to vector<16xi32>
    tpu.vector_store %arg7[%swap3A_507], %swap3A_510 {strides = array<i32>} : memref<128xi32, #tpu.memory_space<vmem>>, vector<16xi32>,
    %lt3A_511 = arith.constant 0 : i32
    %lt3A_512 = vector.broadcast %lt3A_511 : i32 to vector<16xi32>
    %lt3A_513 = arith.cmpi slt, %iota3A, %lt3A_512 : vector<16xi32>
    %scan3A = arith.constant 1 : i32
    %scan3A_514 = arith.constant 63 : i32
    %scan3A_515 = arith.addi %scan3A, %scan3A_514 : i32
    %scan3A_516 = arith.constant 1 : i32
    %scan3A_517 = scf.for %scan3A_556 = %scan3A to %scan3A_515 step %scan3A_516 iter_args(%scan3A_557 = %lt3A_513) -> (vector<16xi1>)  : i32 {
      %add3A_558 = arith.addi %mul3A_32, %scan3A_556 : i32
      %get3A_559 = arith.index_cast %add3A_558 : i32 to index
      %get3A_560 = tpu.vector_load %arg7[%get3A_559] {strides = array<i32>} : memref<128xi32, #tpu.memory_space<vmem>>, vector<16xi32>,
      %get3A_561 = vector.shape_cast %get3A_560 : vector<16xi32> to vector<16xi32>
      %eq3A_562 = arith.cmpi eq, %get3A_561, %add3A_126 : vector<16xi32>
      %or3A_563 = arith.ori %scan3A_557, %eq3A_562 : vector<16xi1>
      scf.yield %or3A_563 : vector<16xi1>
    }
    %scan3A_518 = arith.constant 63 : i32
    %jit3A_519 = arith.constant 0.000000e+00 : f32
    %jit3A_520 = arith.constant 1.000000e+00 : f32
    %broadcast_in_dim3A_521 = vector.broadcast %jit3A_519 : f32 to vector<16xf32>
    %broadcast_in_dim3A_522 = vector.broadcast %jit3A_520 : f32 to vector<16xf32>
    %select_n3A_523 = arith.select %scan3A_517, %broadcast_in_dim3A_521, %broadcast_in_dim3A_522 : vector<16xi1>, vector<16xf32>
    %dma_wait3A = arith.constant 0 : i32
    %dma_wait3A_524 = tpu.memref_slice %arg3[%dma_wait3A] : memref<1048576xf32, #tpu.memory_space<hbm>> -> memref<1048576xf32, #tpu.memory_space<hbm>>
    tpu.wait_indirect_dma semaphore(%arg13 : memref<!tpu.dma_semaphore, #tpu.memory_space<semaphore_mem>>) src(%dma_wait3A_524 : memref<1048576xf32, #tpu.memory_space<hbm>>) dst(%arg10 : memref<32xf32, #tpu.memory_space<vmem>>)
    %dma_wait3A_525 = arith.constant 0 : i32
    %dma_wait3A_526 = tpu.memref_slice %arg4[%dma_wait3A_525] : memref<524288xf32, #tpu.memory_space<hbm>> -> memref<524288xf32, #tpu.memory_space<hbm>>
    tpu.wait_indirect_dma semaphore(%arg14 : memref<!tpu.dma_semaphore, #tpu.memory_space<semaphore_mem>>) src(%dma_wait3A_526 : memref<524288xf32, #tpu.memory_space<hbm>>) dst(%arg11 : memref<16xf32, #tpu.memory_space<vmem>>)
    %get3A_527 = arith.constant 0 : index
    %get3A_528 = tpu.vector_load %arg10[%get3A_527] {strides = array<i32>} : memref<32xf32, #tpu.memory_space<vmem>>, vector<16xf32>,
    %get3A_529 = vector.shape_cast %get3A_528 : vector<16xf32> to vector<16xf32>
    %get3A_530 = arith.constant 16 : index
    %get3A_531 = tpu.vector_load %arg10[%get3A_530] {strides = array<i32>} : memref<32xf32, #tpu.memory_space<vmem>>, vector<16xf32>,
    %get3A_532 = vector.shape_cast %get3A_531 : vector<16xf32> to vector<16xf32>
    %get3A_533 = arith.constant 0 : index
    %get3A_534 = tpu.vector_load %arg11[%get3A_533] {strides = array<i32>} : memref<16xf32, #tpu.memory_space<vmem>>, vector<16xf32>,
    %get3A_535 = vector.shape_cast %get3A_534 : vector<16xf32> to vector<16xf32>
    %sub3A_536 = arith.subf %get3A_529, %sub3A_120 : vector<16xf32>
    %abs3A = math.absf %sub3A_536 : vector<16xf32>
    %sub3A_537 = arith.subf %get3A_532, %sub3A_122 : vector<16xf32>
    %abs3A_538 = math.absf %sub3A_537 : vector<16xf32>
    %add3A_539 = arith.addf %abs3A, %abs3A_538 : vector<16xf32>
    %mul3A_540 = arith.mulf %select_n3A_523, %add3A_539 : vector<16xf32>
    %swap3A_541 = arith.constant 0 : index
    %swap3A_542 = tpu.vector_load %arg12[%swap3A_541] {strides = array<i32>} : memref<48xf32, #tpu.memory_space<vmem>>, vector<16xf32>,
    %swap3A_543 = vector.shape_cast %swap3A_542 : vector<16xf32> to vector<16xf32>
    %swap3A_544 = vector.shape_cast %mul3A_540 : vector<16xf32> to vector<16xf32>
    tpu.vector_store %arg12[%swap3A_541], %swap3A_544 {strides = array<i32>} : memref<48xf32, #tpu.memory_space<vmem>>, vector<16xf32>,
    %sub3A_545 = arith.subf %get3A_535, %get3A_52 : vector<16xf32>
    %abs3A_546 = math.absf %sub3A_545 : vector<16xf32>
    %mul3A_547 = arith.mulf %select_n3A_523, %abs3A_546 : vector<16xf32>
    %swap3A_548 = arith.constant 16 : index
    %swap3A_549 = tpu.vector_load %arg12[%swap3A_548] {strides = array<i32>} : memref<48xf32, #tpu.memory_space<vmem>>, vector<16xf32>,
    %swap3A_550 = vector.shape_cast %swap3A_549 : vector<16xf32> to vector<16xf32>
    %swap3A_551 = vector.shape_cast %mul3A_547 : vector<16xf32> to vector<16xf32>
    tpu.vector_store %arg12[%swap3A_548], %swap3A_551 {strides = array<i32>} : memref<48xf32, #tpu.memory_space<vmem>>, vector<16xf32>,
    %swap3A_552 = arith.constant 32 : index
    %swap3A_553 = tpu.vector_load %arg12[%swap3A_552] {strides = array<i32>} : memref<48xf32, #tpu.memory_space<vmem>>, vector<16xf32>,
    %swap3A_554 = vector.shape_cast %swap3A_553 : vector<16xf32> to vector<16xf32>
    %swap3A_555 = vector.shape_cast %select_n3A_523 : vector<16xf32> to vector<16xf32>
    tpu.vector_store %arg12[%swap3A_552], %swap3A_555 {strides = array<i32>} : memref<48xf32, #tpu.memory_space<vmem>>, vector<16xf32>,
    "tpu.region"() ({
      %run_scoped3A = tpu.sem_alloc : memref<!tpu.dma_semaphore, #tpu.memory_space<semaphore_mem>>
      %dma_start3A_556 = arith.constant 0 : i32
      %dma_start3A_557 = tpu.memref_slice %arg5[%add3A, %dma_start3A_556] : memref<32x48xf32, #tpu.memory_space<hbm>> -> memref<1x48xf32, #tpu.memory_space<hbm>>
      %dma_start3A_558 = tpu.memref_squeeze %dma_start3A_557 : memref<1x48xf32, #tpu.memory_space<hbm>> -> memref<48xf32, #tpu.memory_space<hbm>>
      %dma_start3A_559 = arith.constant 0 : i32
      %dma_start3A_560 = tpu.memref_slice %arg5[%add3A, %dma_start3A_559] : memref<32x48xf32, #tpu.memory_space<hbm>> -> memref<1x48xf32, #tpu.memory_space<hbm>>
      %dma_start3A_561 = tpu.memref_squeeze %dma_start3A_560 : memref<1x48xf32, #tpu.memory_space<hbm>> -> memref<48xf32, #tpu.memory_space<hbm>>
      tpu.enqueue_dma source(%arg12 : memref<48xf32, #tpu.memory_space<vmem>>) target(%dma_start3A_561 : memref<48xf32, #tpu.memory_space<hbm>>) target_semaphore(%run_scoped3A : memref<!tpu.dma_semaphore, #tpu.memory_space<semaphore_mem>>)
      %dma_wait3A_562 = arith.constant 0 : i32
      %dma_wait3A_563 = tpu.memref_slice %arg5[%add3A, %dma_wait3A_562] : memref<32x48xf32, #tpu.memory_space<hbm>> -> memref<1x48xf32, #tpu.memory_space<hbm>>
      %dma_wait3A_564 = tpu.memref_squeeze %dma_wait3A_563 : memref<1x48xf32, #tpu.memory_space<hbm>> -> memref<48xf32, #tpu.memory_space<hbm>>
      %dma_wait3A_565 = arith.constant 0 : i32
      %dma_wait3A_566 = tpu.memref_slice %arg5[%add3A, %dma_wait3A_565] : memref<32x48xf32, #tpu.memory_space<hbm>> -> memref<1x48xf32, #tpu.memory_space<hbm>>
      %dma_wait3A_567 = tpu.memref_squeeze %dma_wait3A_566 : memref<1x48xf32, #tpu.memory_space<hbm>> -> memref<48xf32, #tpu.memory_space<hbm>>
      tpu.wait_dma2 semaphore(%run_scoped3A : memref<!tpu.dma_semaphore, #tpu.memory_space<semaphore_mem>>) src(%arg12 : memref<48xf32, #tpu.memory_space<vmem>>) dst(%dma_wait3A_567 : memref<48xf32, #tpu.memory_space<hbm>>)
      tpu.yield
    }) : () -> ()
    return
  }
}

module attributes {stable_mosaic.version = 14 : i64} {
  func.func @_tc_body(%arg0: i32, %arg1: memref<8x2x64xf32, #tpu.memory_space<smem>>, %arg2: memref<1x1x256x256xf32, #tpu.memory_space<vmem>>, %arg3: memref<1x1x8xf32, #tpu.memory_space<vmem>>, %arg4: memref<256x256xf32, #tpu.memory_space<vmem>>, %arg5: memref<256x256xf32, #tpu.memory_space<vmem>>, %arg6: memref<256x256xf32, #tpu.memory_space<vmem>>, %arg7: memref<256x256xf32, #tpu.memory_space<vmem>>) attributes {dimension_semantics = [#tpu.dimension_semantics<arbitrary>], iteration_bounds = array<i64: 8>, scalar_prefetch = 0 : i64, scratch_operands = 4 : i64, tpu.core_type = #tpu.core_type<tc>, window_params = [{transform_indices = @transform_0, window_bounds = array<i64: 8, 2, 64>}, {transform_indices = @transform_1, window_bounds = array<i64: 1, 1, 256, 256>}, {transform_indices = @transform_2, window_bounds = array<i64: 1, 1, 8>}]} {
    %broadcast_in_dim3A = arith.constant 0.000000e+00 : f32
    %broadcast_in_dim3A_0 = vector.broadcast %broadcast_in_dim3A : f32 to vector<256x256xf32>
    %swap3A = arith.constant 0 : index
    %swap3A_1 = arith.constant 0 : index
    %swap3A_2 = vector.load %arg4[%swap3A, %swap3A_1] : memref<256x256xf32, #tpu.memory_space<vmem>>, vector<256x256xf32>
    tpu.vector_store %arg4[%swap3A, %swap3A_1], %broadcast_in_dim3A_0 {strides = array<i32>} : memref<256x256xf32, #tpu.memory_space<vmem>>, vector<256x256xf32>,
    %broadcast_in_dim3A_3 = arith.constant 0.000000e+00 : f32
    %broadcast_in_dim3A_4 = vector.broadcast %broadcast_in_dim3A_3 : f32 to vector<256x256xf32>
    %swap3A_5 = arith.constant 0 : index
    %swap3A_6 = arith.constant 0 : index
    %swap3A_7 = vector.load %arg5[%swap3A_5, %swap3A_6] : memref<256x256xf32, #tpu.memory_space<vmem>>, vector<256x256xf32>
    tpu.vector_store %arg5[%swap3A_5, %swap3A_6], %broadcast_in_dim3A_4 {strides = array<i32>} : memref<256x256xf32, #tpu.memory_space<vmem>>, vector<256x256xf32>,
    %broadcast_in_dim3A_8 = arith.constant 0.000000e+00 : f32
    %broadcast_in_dim3A_9 = vector.broadcast %broadcast_in_dim3A_8 : f32 to vector<256x256xf32>
    %swap3A_10 = arith.constant 0 : index
    %swap3A_11 = arith.constant 0 : index
    %swap3A_12 = vector.load %arg6[%swap3A_10, %swap3A_11] : memref<256x256xf32, #tpu.memory_space<vmem>>, vector<256x256xf32>
    tpu.vector_store %arg6[%swap3A_10, %swap3A_11], %broadcast_in_dim3A_9 {strides = array<i32>} : memref<256x256xf32, #tpu.memory_space<vmem>>, vector<256x256xf32>,
    %broadcast_in_dim3A_13 = arith.constant 0.000000e+00 : f32
    %broadcast_in_dim3A_14 = vector.broadcast %broadcast_in_dim3A_13 : f32 to vector<256x256xf32>
    %swap3A_15 = arith.constant 0 : index
    %swap3A_16 = arith.constant 0 : index
    %swap3A_17 = vector.load %arg7[%swap3A_15, %swap3A_16] : memref<256x256xf32, #tpu.memory_space<vmem>>, vector<256x256xf32>
    tpu.vector_store %arg7[%swap3A_15, %swap3A_16], %broadcast_in_dim3A_14 {strides = array<i32>} : memref<256x256xf32, #tpu.memory_space<vmem>>, vector<256x256xf32>,
    %iota3A = tpu.iota {dimensions = array<i32: 1>} : vector<24x256xi32>
    %convert_element_type3A = arith.sitofp %iota3A : vector<24x256xi32> to vector<24x256xf32>
    %iota3A_18 = tpu.iota {dimensions = array<i32: 0>} : vector<24x256xi32>
    %convert_element_type3A_19 = arith.sitofp %iota3A_18 : vector<24x256xi32> to vector<24x256xf32>
    %scan3A = arith.constant 0 : i32
    %scan3A_20 = arith.constant 16 : i32
    %scan3A_21 = arith.addi %scan3A, %scan3A_20 : i32
    %scan3A_22 = arith.constant 1 : i32
    scf.for %scan3A_92 = %scan3A to %scan3A_21 step %scan3A_22  : i32 {
      %mul3A_93 = arith.constant 4 : i32
      %mul3A_94 = arith.muli %scan3A_92, %mul3A_93 : i32
      %add3A = arith.constant 0 : i32
      %add3A_95 = arith.addi %mul3A_94, %add3A : i32
      %get3A_96 = arith.index_cast %arg0 : i32 to index
      %get3A_97 = arith.constant 0 : index
      %get3A_98 = arith.index_cast %add3A_95 : i32 to index
      %get3A_99 = memref.load %arg1[%get3A_96, %get3A_97, %get3A_98] : memref<8x2x64xf32, #tpu.memory_space<smem>>
      %mul3A_100 = arith.constant 2.550000e+02 : f32
      %mul3A_101 = arith.mulf %get3A_99, %mul3A_100 : f32
      %get3A_102 = arith.index_cast %arg0 : i32 to index
      %get3A_103 = arith.constant 1 : index
      %get3A_104 = arith.index_cast %add3A_95 : i32 to index
      %get3A_105 = memref.load %arg1[%get3A_102, %get3A_103, %get3A_104] : memref<8x2x64xf32, #tpu.memory_space<smem>>
      %mul3A_106 = arith.constant 2.550000e+02 : f32
      %mul3A_107 = arith.mulf %get3A_105, %mul3A_106 : f32
      %convert_element_type3A_108 = arith.fptosi %mul3A_101 : f32 to i32
      %convert_element_type3A_109 = arith.sitofp %convert_element_type3A_108 : i32 to f32
      %sub3A_110 = arith.subf %mul3A_101, %convert_element_type3A_109 : f32
      %gt3A = arith.constant 5.000000e-01 : f32
      %gt3A_111 = arith.cmpf ogt, %sub3A_110, %gt3A : f32
      %eq3A_112 = arith.constant 5.000000e-01 : f32
      %eq3A_113 = arith.cmpf oeq, %sub3A_110, %eq3A_112 : f32
      %and3A = arith.constant 1 : i32
      %and3A_114 = arith.andi %convert_element_type3A_108, %and3A : i32
      %eq3A_115 = arith.constant 1 : i32
      %eq3A_116 = arith.cmpi eq, %and3A_114, %eq3A_115 : i32
      %and3A_117 = arith.andi %eq3A_113, %eq3A_116 : i1
      %or3A = arith.ori %gt3A_111, %and3A_117 : i1
      %jit3A_118 = arith.constant 1 : i32
      %jit3A_119 = arith.constant 0 : i32
      %select_n3A_120 = arith.select %or3A, %jit3A_118, %jit3A_119 : i32
      %add3A_121 = arith.addi %convert_element_type3A_108, %select_n3A_120 : i32
      %jit3A_122 = arith.constant 0 : i32
      %jit3A_123 = arith.constant 255 : i32
      %max3A_124 = arith.maxsi %jit3A_122, %add3A_121 : i32
      %min3A_125 = arith.minsi %jit3A_123, %max3A_124 : i32
      %convert_element_type3A_126 = arith.fptosi %mul3A_107 : f32 to i32
      %convert_element_type3A_127 = arith.sitofp %convert_element_type3A_126 : i32 to f32
      %sub3A_128 = arith.subf %mul3A_107, %convert_element_type3A_127 : f32
      %gt3A_129 = arith.constant 5.000000e-01 : f32
      %gt3A_130 = arith.cmpf ogt, %sub3A_128, %gt3A_129 : f32
      %eq3A_131 = arith.constant 5.000000e-01 : f32
      %eq3A_132 = arith.cmpf oeq, %sub3A_128, %eq3A_131 : f32
      %and3A_133 = arith.constant 1 : i32
      %and3A_134 = arith.andi %convert_element_type3A_126, %and3A_133 : i32
      %eq3A_135 = arith.constant 1 : i32
      %eq3A_136 = arith.cmpi eq, %and3A_134, %eq3A_135 : i32
      %and3A_137 = arith.andi %eq3A_132, %eq3A_136 : i1
      %or3A_138 = arith.ori %gt3A_130, %and3A_137 : i1
      %jit3A_139 = arith.constant 1 : i32
      %jit3A_140 = arith.constant 0 : i32
      %select_n3A_141 = arith.select %or3A_138, %jit3A_139, %jit3A_140 : i32
      %add3A_142 = arith.addi %convert_element_type3A_126, %select_n3A_141 : i32
      %jit3A_143 = arith.constant 0 : i32
      %jit3A_144 = arith.constant 255 : i32
      %max3A_145 = arith.maxsi %jit3A_143, %add3A_142 : i32
      %min3A_146 = arith.minsi %jit3A_144, %max3A_145 : i32
      %sub3A_147 = arith.constant 7 : i32
      %sub3A_148 = arith.subi %min3A_146, %sub3A_147 : i32
      %max3A_149 = arith.constant 0 : i32
      %max3A_150 = arith.maxsi %sub3A_148, %max3A_149 : i32
      %jit3A_151 = arith.constant 8 : i32
      %div3A = arith.divsi %max3A_150, %jit3A_151 : i32
      %sign3A = arith.constant 0 : i32
      %sign3A_152 = arith.cmpi sgt, %max3A_150, %sign3A : i32
      %sign3A_153 = arith.extui %sign3A_152 : i1 to i32
      %sign3A_154 = arith.constant 0 : i32
      %sign3A_155 = arith.cmpi slt, %max3A_150, %sign3A_154 : i32
      %sign3A_156 = arith.extui %sign3A_155 : i1 to i32
      %sign3A_157 = arith.subi %sign3A_153, %sign3A_156 : i32
      %sign3A_158 = arith.constant 0 : i32
      %sign3A_159 = arith.cmpi sgt, %jit3A_151, %sign3A_158 : i32
      %sign3A_160 = arith.extui %sign3A_159 : i1 to i32
      %sign3A_161 = arith.constant 0 : i32
      %sign3A_162 = arith.cmpi slt, %jit3A_151, %sign3A_161 : i32
      %sign3A_163 = arith.extui %sign3A_162 : i1 to i32
      %sign3A_164 = arith.subi %sign3A_160, %sign3A_163 : i32
      %ne3A = arith.cmpi ne, %sign3A_157, %sign3A_164 : i32
      %rem3A = arith.remsi %max3A_150, %jit3A_151 : i32
      %ne3A_165 = arith.constant 0 : i32
      %ne3A_166 = arith.cmpi ne, %rem3A, %ne3A_165 : i32
      %and3A_167 = arith.andi %ne3A, %ne3A_166 : i1
      %sub3A_168 = arith.constant 1 : i32
      %sub3A_169 = arith.subi %div3A, %sub3A_168 : i32
      %select_n3A_170 = arith.select %and3A_167, %sub3A_169, %div3A : i32
      %mul3A_171 = arith.constant 8 : i32
      %mul3A_172 = arith.muli %select_n3A_170, %mul3A_171 : i32
      %min3A_173 = arith.constant 232 : i32
      %min3A_174 = arith.minsi %mul3A_172, %min3A_173 : i32
      %multiple_of3A = tpu.assume_multiple %min3A_174, 8 : i32
      %convert_element_type3A_175 = arith.sitofp %multiple_of3A : i32 to f32
      %sub3A_176 = arith.subf %convert_element_type3A_175, %mul3A_107 : f32
      %add3A_177 = vector.broadcast %sub3A_176 : f32 to vector<24x256xf32>
      %add3A_178 = arith.addf %convert_element_type3A_19, %add3A_177 : vector<24x256xf32>
      %sub3A_179 = vector.broadcast %mul3A_101 : f32 to vector<24x256xf32>
      %sub3A_180 = arith.subf %convert_element_type3A, %sub3A_179 : vector<24x256xf32>
      %integer_pow3A = arith.mulf %sub3A_180, %sub3A_180 : vector<24x256xf32>
      %mul3A_181 = arith.mulf %add3A_178, %add3A_178 : vector<24x256xf32>
      %add3A_182 = arith.addf %integer_pow3A, %mul3A_181 : vector<24x256xf32>
      %neg3A_183 = arith.constant 0.000000e+00 : f32
      %neg3A_184 = vector.broadcast %neg3A_183 : f32 to vector<24x256xf32>
      %neg3A_185 = arith.subf %neg3A_184, %add3A_182 : vector<24x256xf32>
      %div3A_186 = arith.constant 8.000000e+00 : f32
      %div3A_187 = vector.broadcast %div3A_186 : f32 to vector<24x256xf32>
      %div3A_188 = arith.divf %neg3A_185, %div3A_187 : vector<24x256xf32>
      %exp3A = math.exp %div3A_188 : vector<24x256xf32>
      %convert_element_type3A_189 = arith.sitofp %min3A_125 : i32 to f32
      %sub3A_190 = vector.broadcast %convert_element_type3A_189 : f32 to vector<24x256xf32>
      %sub3A_191 = arith.subf %convert_element_type3A, %sub3A_190 : vector<24x256xf32>
      %abs3A = math.absf %sub3A_191 : vector<24x256xf32>
      %le3A = arith.constant 7.000000e+00 : f32
      %le3A_192 = vector.broadcast %le3A : f32 to vector<24x256xf32>
      %le3A_193 = arith.cmpf ole, %abs3A, %le3A_192 : vector<24x256xf32>
      %convert_element_type3A_194 = arith.sitofp %min3A_146 : i32 to f32
      %sub3A_195 = arith.subf %convert_element_type3A_175, %convert_element_type3A_194 : f32
      %add3A_196 = vector.broadcast %sub3A_195 : f32 to vector<24x256xf32>
      %add3A_197 = arith.addf %convert_element_type3A_19, %add3A_196 : vector<24x256xf32>
      %abs3A_198 = math.absf %add3A_197 : vector<24x256xf32>
      %le3A_199 = arith.constant 7.000000e+00 : f32
      %le3A_200 = vector.broadcast %le3A_199 : f32 to vector<24x256xf32>
      %le3A_201 = arith.cmpf ole, %abs3A_198, %le3A_200 : vector<24x256xf32>
      %and3A_202 = arith.andi %le3A_193, %le3A_201 : vector<24x256xi1>
      %jit3A_203 = arith.constant 0.000000e+00 : f32
      %broadcast_in_dim3A_204 = vector.broadcast %jit3A_203 : f32 to vector<24x256xf32>
      %select_n3A_205 = arith.select %and3A_202, %exp3A, %broadcast_in_dim3A_204 : vector<24x256xi1>, vector<24x256xf32>
      %multiple_of3A_206 = tpu.assume_multiple %multiple_of3A, 8 : i32
      %get3A_207 = arith.index_cast %multiple_of3A_206 : i32 to index
      %get3A_208 = arith.constant 0 : index
      %get3A_209 = vector.load %arg4[%get3A_207, %get3A_208] : memref<256x256xf32, #tpu.memory_space<vmem>>, vector<24x256xf32>
      %max3A_210 = arith.maximumf %get3A_209, %select_n3A_205 : vector<24x256xf32>
      %swap3A_211 = arith.index_cast %multiple_of3A_206 : i32 to index
      %swap3A_212 = arith.constant 0 : index
      %swap3A_213 = vector.load %arg4[%swap3A_211, %swap3A_212] : memref<256x256xf32, #tpu.memory_space<vmem>>, vector<24x256xf32>
      tpu.vector_store %arg4[%swap3A_211, %swap3A_212], %max3A_210 {strides = array<i32>} : memref<256x256xf32, #tpu.memory_space<vmem>>, vector<24x256xf32>,
      %mul3A_214 = arith.constant 4 : i32
      %mul3A_215 = arith.muli %scan3A_92, %mul3A_214 : i32
      %add3A_216 = arith.constant 1 : i32
      %add3A_217 = arith.addi %mul3A_215, %add3A_216 : i32
      %get3A_218 = arith.index_cast %arg0 : i32 to index
      %get3A_219 = arith.constant 0 : index
      %get3A_220 = arith.index_cast %add3A_217 : i32 to index
      %get3A_221 = memref.load %arg1[%get3A_218, %get3A_219, %get3A_220] : memref<8x2x64xf32, #tpu.memory_space<smem>>
      %mul3A_222 = arith.constant 2.550000e+02 : f32
      %mul3A_223 = arith.mulf %get3A_221, %mul3A_222 : f32
      %get3A_224 = arith.index_cast %arg0 : i32 to index
      %get3A_225 = arith.constant 1 : index
      %get3A_226 = arith.index_cast %add3A_217 : i32 to index
      %get3A_227 = memref.load %arg1[%get3A_224, %get3A_225, %get3A_226] : memref<8x2x64xf32, #tpu.memory_space<smem>>
      %mul3A_228 = arith.constant 2.550000e+02 : f32
      %mul3A_229 = arith.mulf %get3A_227, %mul3A_228 : f32
      %convert_element_type3A_230 = arith.fptosi %mul3A_223 : f32 to i32
      %convert_element_type3A_231 = arith.sitofp %convert_element_type3A_230 : i32 to f32
      %sub3A_232 = arith.subf %mul3A_223, %convert_element_type3A_231 : f32
      %gt3A_233 = arith.constant 5.000000e-01 : f32
      %gt3A_234 = arith.cmpf ogt, %sub3A_232, %gt3A_233 : f32
      %eq3A_235 = arith.constant 5.000000e-01 : f32
      %eq3A_236 = arith.cmpf oeq, %sub3A_232, %eq3A_235 : f32
      %and3A_237 = arith.constant 1 : i32
      %and3A_238 = arith.andi %convert_element_type3A_230, %and3A_237 : i32
      %eq3A_239 = arith.constant 1 : i32
      %eq3A_240 = arith.cmpi eq, %and3A_238, %eq3A_239 : i32
      %and3A_241 = arith.andi %eq3A_236, %eq3A_240 : i1
      %or3A_242 = arith.ori %gt3A_234, %and3A_241 : i1
      %jit3A_243 = arith.constant 1 : i32
      %jit3A_244 = arith.constant 0 : i32
      %select_n3A_245 = arith.select %or3A_242, %jit3A_243, %jit3A_244 : i32
      %add3A_246 = arith.addi %convert_element_type3A_230, %select_n3A_245 : i32
      %jit3A_247 = arith.constant 0 : i32
      %jit3A_248 = arith.constant 255 : i32
      %max3A_249 = arith.maxsi %jit3A_247, %add3A_246 : i32
      %min3A_250 = arith.minsi %jit3A_248, %max3A_249 : i32
      %convert_element_type3A_251 = arith.fptosi %mul3A_229 : f32 to i32
      %convert_element_type3A_252 = arith.sitofp %convert_element_type3A_251 : i32 to f32
      %sub3A_253 = arith.subf %mul3A_229, %convert_element_type3A_252 : f32
      %gt3A_254 = arith.constant 5.000000e-01 : f32
      %gt3A_255 = arith.cmpf ogt, %sub3A_253, %gt3A_254 : f32
      %eq3A_256 = arith.constant 5.000000e-01 : f32
      %eq3A_257 = arith.cmpf oeq, %sub3A_253, %eq3A_256 : f32
      %and3A_258 = arith.constant 1 : i32
      %and3A_259 = arith.andi %convert_element_type3A_251, %and3A_258 : i32
      %eq3A_260 = arith.constant 1 : i32
      %eq3A_261 = arith.cmpi eq, %and3A_259, %eq3A_260 : i32
      %and3A_262 = arith.andi %eq3A_257, %eq3A_261 : i1
      %or3A_263 = arith.ori %gt3A_255, %and3A_262 : i1
      %jit3A_264 = arith.constant 1 : i32
      %jit3A_265 = arith.constant 0 : i32
      %select_n3A_266 = arith.select %or3A_263, %jit3A_264, %jit3A_265 : i32
      %add3A_267 = arith.addi %convert_element_type3A_251, %select_n3A_266 : i32
      %jit3A_268 = arith.constant 0 : i32
      %jit3A_269 = arith.constant 255 : i32
      %max3A_270 = arith.maxsi %jit3A_268, %add3A_267 : i32
      %min3A_271 = arith.minsi %jit3A_269, %max3A_270 : i32
      %sub3A_272 = arith.constant 7 : i32
      %sub3A_273 = arith.subi %min3A_271, %sub3A_272 : i32
      %max3A_274 = arith.constant 0 : i32
      %max3A_275 = arith.maxsi %sub3A_273, %max3A_274 : i32
      %jit3A_276 = arith.constant 8 : i32
      %div3A_277 = arith.divsi %max3A_275, %jit3A_276 : i32
      %sign3A_278 = arith.constant 0 : i32
      %sign3A_279 = arith.cmpi sgt, %max3A_275, %sign3A_278 : i32
      %sign3A_280 = arith.extui %sign3A_279 : i1 to i32
      %sign3A_281 = arith.constant 0 : i32
      %sign3A_282 = arith.cmpi slt, %max3A_275, %sign3A_281 : i32
      %sign3A_283 = arith.extui %sign3A_282 : i1 to i32
      %sign3A_284 = arith.subi %sign3A_280, %sign3A_283 : i32
      %sign3A_285 = arith.constant 0 : i32
      %sign3A_286 = arith.cmpi sgt, %jit3A_276, %sign3A_285 : i32
      %sign3A_287 = arith.extui %sign3A_286 : i1 to i32
      %sign3A_288 = arith.constant 0 : i32
      %sign3A_289 = arith.cmpi slt, %jit3A_276, %sign3A_288 : i32
      %sign3A_290 = arith.extui %sign3A_289 : i1 to i32
      %sign3A_291 = arith.subi %sign3A_287, %sign3A_290 : i32
      %ne3A_292 = arith.cmpi ne, %sign3A_284, %sign3A_291 : i32
      %rem3A_293 = arith.remsi %max3A_275, %jit3A_276 : i32
      %ne3A_294 = arith.constant 0 : i32
      %ne3A_295 = arith.cmpi ne, %rem3A_293, %ne3A_294 : i32
      %and3A_296 = arith.andi %ne3A_292, %ne3A_295 : i1
      %sub3A_297 = arith.constant 1 : i32
      %sub3A_298 = arith.subi %div3A_277, %sub3A_297 : i32
      %select_n3A_299 = arith.select %and3A_296, %sub3A_298, %div3A_277 : i32
      %mul3A_300 = arith.constant 8 : i32
      %mul3A_301 = arith.muli %select_n3A_299, %mul3A_300 : i32
      %min3A_302 = arith.constant 232 : i32
      %min3A_303 = arith.minsi %mul3A_301, %min3A_302 : i32
      %multiple_of3A_304 = tpu.assume_multiple %min3A_303, 8 : i32
      %convert_element_type3A_305 = arith.sitofp %multiple_of3A_304 : i32 to f32
      %sub3A_306 = arith.subf %convert_element_type3A_305, %mul3A_229 : f32
      %add3A_307 = vector.broadcast %sub3A_306 : f32 to vector<24x256xf32>
      %add3A_308 = arith.addf %convert_element_type3A_19, %add3A_307 : vector<24x256xf32>
      %sub3A_309 = vector.broadcast %mul3A_223 : f32 to vector<24x256xf32>
      %sub3A_310 = arith.subf %convert_element_type3A, %sub3A_309 : vector<24x256xf32>
      %integer_pow3A_311 = arith.mulf %sub3A_310, %sub3A_310 : vector<24x256xf32>
      %mul3A_312 = arith.mulf %add3A_308, %add3A_308 : vector<24x256xf32>
      %add3A_313 = arith.addf %integer_pow3A_311, %mul3A_312 : vector<24x256xf32>
      %neg3A_314 = arith.constant 0.000000e+00 : f32
      %neg3A_315 = vector.broadcast %neg3A_314 : f32 to vector<24x256xf32>
      %neg3A_316 = arith.subf %neg3A_315, %add3A_313 : vector<24x256xf32>
      %div3A_317 = arith.constant 8.000000e+00 : f32
      %div3A_318 = vector.broadcast %div3A_317 : f32 to vector<24x256xf32>
      %div3A_319 = arith.divf %neg3A_316, %div3A_318 : vector<24x256xf32>
      %exp3A_320 = math.exp %div3A_319 : vector<24x256xf32>
      %convert_element_type3A_321 = arith.sitofp %min3A_250 : i32 to f32
      %sub3A_322 = vector.broadcast %convert_element_type3A_321 : f32 to vector<24x256xf32>
      %sub3A_323 = arith.subf %convert_element_type3A, %sub3A_322 : vector<24x256xf32>
      %abs3A_324 = math.absf %sub3A_323 : vector<24x256xf32>
      %le3A_325 = arith.constant 7.000000e+00 : f32
      %le3A_326 = vector.broadcast %le3A_325 : f32 to vector<24x256xf32>
      %le3A_327 = arith.cmpf ole, %abs3A_324, %le3A_326 : vector<24x256xf32>
      %convert_element_type3A_328 = arith.sitofp %min3A_271 : i32 to f32
      %sub3A_329 = arith.subf %convert_element_type3A_305, %convert_element_type3A_328 : f32
      %add3A_330 = vector.broadcast %sub3A_329 : f32 to vector<24x256xf32>
      %add3A_331 = arith.addf %convert_element_type3A_19, %add3A_330 : vector<24x256xf32>
      %abs3A_332 = math.absf %add3A_331 : vector<24x256xf32>
      %le3A_333 = arith.constant 7.000000e+00 : f32
      %le3A_334 = vector.broadcast %le3A_333 : f32 to vector<24x256xf32>
      %le3A_335 = arith.cmpf ole, %abs3A_332, %le3A_334 : vector<24x256xf32>
      %and3A_336 = arith.andi %le3A_327, %le3A_335 : vector<24x256xi1>
      %jit3A_337 = arith.constant 0.000000e+00 : f32
      %broadcast_in_dim3A_338 = vector.broadcast %jit3A_337 : f32 to vector<24x256xf32>
      %select_n3A_339 = arith.select %and3A_336, %exp3A_320, %broadcast_in_dim3A_338 : vector<24x256xi1>, vector<24x256xf32>
      %multiple_of3A_340 = tpu.assume_multiple %multiple_of3A_304, 8 : i32
      %get3A_341 = arith.index_cast %multiple_of3A_340 : i32 to index
      %get3A_342 = arith.constant 0 : index
      %get3A_343 = vector.load %arg5[%get3A_341, %get3A_342] : memref<256x256xf32, #tpu.memory_space<vmem>>, vector<24x256xf32>
      %max3A_344 = arith.maximumf %get3A_343, %select_n3A_339 : vector<24x256xf32>
      %swap3A_345 = arith.index_cast %multiple_of3A_340 : i32 to index
      %swap3A_346 = arith.constant 0 : index
      %swap3A_347 = vector.load %arg5[%swap3A_345, %swap3A_346] : memref<256x256xf32, #tpu.memory_space<vmem>>, vector<24x256xf32>
      tpu.vector_store %arg5[%swap3A_345, %swap3A_346], %max3A_344 {strides = array<i32>} : memref<256x256xf32, #tpu.memory_space<vmem>>, vector<24x256xf32>,
      %mul3A_348 = arith.constant 4 : i32
      %mul3A_349 = arith.muli %scan3A_92, %mul3A_348 : i32
      %add3A_350 = arith.constant 2 : i32
      %add3A_351 = arith.addi %mul3A_349, %add3A_350 : i32
      %get3A_352 = arith.index_cast %arg0 : i32 to index
      %get3A_353 = arith.constant 0 : index
      %get3A_354 = arith.index_cast %add3A_351 : i32 to index
      %get3A_355 = memref.load %arg1[%get3A_352, %get3A_353, %get3A_354] : memref<8x2x64xf32, #tpu.memory_space<smem>>
      %mul3A_356 = arith.constant 2.550000e+02 : f32
      %mul3A_357 = arith.mulf %get3A_355, %mul3A_356 : f32
      %get3A_358 = arith.index_cast %arg0 : i32 to index
      %get3A_359 = arith.constant 1 : index
      %get3A_360 = arith.index_cast %add3A_351 : i32 to index
      %get3A_361 = memref.load %arg1[%get3A_358, %get3A_359, %get3A_360] : memref<8x2x64xf32, #tpu.memory_space<smem>>
      %mul3A_362 = arith.constant 2.550000e+02 : f32
      %mul3A_363 = arith.mulf %get3A_361, %mul3A_362 : f32
      %convert_element_type3A_364 = arith.fptosi %mul3A_357 : f32 to i32
      %convert_element_type3A_365 = arith.sitofp %convert_element_type3A_364 : i32 to f32
      %sub3A_366 = arith.subf %mul3A_357, %convert_element_type3A_365 : f32
      %gt3A_367 = arith.constant 5.000000e-01 : f32
      %gt3A_368 = arith.cmpf ogt, %sub3A_366, %gt3A_367 : f32
      %eq3A_369 = arith.constant 5.000000e-01 : f32
      %eq3A_370 = arith.cmpf oeq, %sub3A_366, %eq3A_369 : f32
      %and3A_371 = arith.constant 1 : i32
      %and3A_372 = arith.andi %convert_element_type3A_364, %and3A_371 : i32
      %eq3A_373 = arith.constant 1 : i32
      %eq3A_374 = arith.cmpi eq, %and3A_372, %eq3A_373 : i32
      %and3A_375 = arith.andi %eq3A_370, %eq3A_374 : i1
      %or3A_376 = arith.ori %gt3A_368, %and3A_375 : i1
      %jit3A_377 = arith.constant 1 : i32
      %jit3A_378 = arith.constant 0 : i32
      %select_n3A_379 = arith.select %or3A_376, %jit3A_377, %jit3A_378 : i32
      %add3A_380 = arith.addi %convert_element_type3A_364, %select_n3A_379 : i32
      %jit3A_381 = arith.constant 0 : i32
      %jit3A_382 = arith.constant 255 : i32
      %max3A_383 = arith.maxsi %jit3A_381, %add3A_380 : i32
      %min3A_384 = arith.minsi %jit3A_382, %max3A_383 : i32
      %convert_element_type3A_385 = arith.fptosi %mul3A_363 : f32 to i32
      %convert_element_type3A_386 = arith.sitofp %convert_element_type3A_385 : i32 to f32
      %sub3A_387 = arith.subf %mul3A_363, %convert_element_type3A_386 : f32
      %gt3A_388 = arith.constant 5.000000e-01 : f32
      %gt3A_389 = arith.cmpf ogt, %sub3A_387, %gt3A_388 : f32
      %eq3A_390 = arith.constant 5.000000e-01 : f32
      %eq3A_391 = arith.cmpf oeq, %sub3A_387, %eq3A_390 : f32
      %and3A_392 = arith.constant 1 : i32
      %and3A_393 = arith.andi %convert_element_type3A_385, %and3A_392 : i32
      %eq3A_394 = arith.constant 1 : i32
      %eq3A_395 = arith.cmpi eq, %and3A_393, %eq3A_394 : i32
      %and3A_396 = arith.andi %eq3A_391, %eq3A_395 : i1
      %or3A_397 = arith.ori %gt3A_389, %and3A_396 : i1
      %jit3A_398 = arith.constant 1 : i32
      %jit3A_399 = arith.constant 0 : i32
      %select_n3A_400 = arith.select %or3A_397, %jit3A_398, %jit3A_399 : i32
      %add3A_401 = arith.addi %convert_element_type3A_385, %select_n3A_400 : i32
      %jit3A_402 = arith.constant 0 : i32
      %jit3A_403 = arith.constant 255 : i32
      %max3A_404 = arith.maxsi %jit3A_402, %add3A_401 : i32
      %min3A_405 = arith.minsi %jit3A_403, %max3A_404 : i32
      %sub3A_406 = arith.constant 7 : i32
      %sub3A_407 = arith.subi %min3A_405, %sub3A_406 : i32
      %max3A_408 = arith.constant 0 : i32
      %max3A_409 = arith.maxsi %sub3A_407, %max3A_408 : i32
      %jit3A_410 = arith.constant 8 : i32
      %div3A_411 = arith.divsi %max3A_409, %jit3A_410 : i32
      %sign3A_412 = arith.constant 0 : i32
      %sign3A_413 = arith.cmpi sgt, %max3A_409, %sign3A_412 : i32
      %sign3A_414 = arith.extui %sign3A_413 : i1 to i32
      %sign3A_415 = arith.constant 0 : i32
      %sign3A_416 = arith.cmpi slt, %max3A_409, %sign3A_415 : i32
      %sign3A_417 = arith.extui %sign3A_416 : i1 to i32
      %sign3A_418 = arith.subi %sign3A_414, %sign3A_417 : i32
      %sign3A_419 = arith.constant 0 : i32
      %sign3A_420 = arith.cmpi sgt, %jit3A_410, %sign3A_419 : i32
      %sign3A_421 = arith.extui %sign3A_420 : i1 to i32
      %sign3A_422 = arith.constant 0 : i32
      %sign3A_423 = arith.cmpi slt, %jit3A_410, %sign3A_422 : i32
      %sign3A_424 = arith.extui %sign3A_423 : i1 to i32
      %sign3A_425 = arith.subi %sign3A_421, %sign3A_424 : i32
      %ne3A_426 = arith.cmpi ne, %sign3A_418, %sign3A_425 : i32
      %rem3A_427 = arith.remsi %max3A_409, %jit3A_410 : i32
      %ne3A_428 = arith.constant 0 : i32
      %ne3A_429 = arith.cmpi ne, %rem3A_427, %ne3A_428 : i32
      %and3A_430 = arith.andi %ne3A_426, %ne3A_429 : i1
      %sub3A_431 = arith.constant 1 : i32
      %sub3A_432 = arith.subi %div3A_411, %sub3A_431 : i32
      %select_n3A_433 = arith.select %and3A_430, %sub3A_432, %div3A_411 : i32
      %mul3A_434 = arith.constant 8 : i32
      %mul3A_435 = arith.muli %select_n3A_433, %mul3A_434 : i32
      %min3A_436 = arith.constant 232 : i32
      %min3A_437 = arith.minsi %mul3A_435, %min3A_436 : i32
      %multiple_of3A_438 = tpu.assume_multiple %min3A_437, 8 : i32
      %convert_element_type3A_439 = arith.sitofp %multiple_of3A_438 : i32 to f32
      %sub3A_440 = arith.subf %convert_element_type3A_439, %mul3A_363 : f32
      %add3A_441 = vector.broadcast %sub3A_440 : f32 to vector<24x256xf32>
      %add3A_442 = arith.addf %convert_element_type3A_19, %add3A_441 : vector<24x256xf32>
      %sub3A_443 = vector.broadcast %mul3A_357 : f32 to vector<24x256xf32>
      %sub3A_444 = arith.subf %convert_element_type3A, %sub3A_443 : vector<24x256xf32>
      %integer_pow3A_445 = arith.mulf %sub3A_444, %sub3A_444 : vector<24x256xf32>
      %mul3A_446 = arith.mulf %add3A_442, %add3A_442 : vector<24x256xf32>
      %add3A_447 = arith.addf %integer_pow3A_445, %mul3A_446 : vector<24x256xf32>
      %neg3A_448 = arith.constant 0.000000e+00 : f32
      %neg3A_449 = vector.broadcast %neg3A_448 : f32 to vector<24x256xf32>
      %neg3A_450 = arith.subf %neg3A_449, %add3A_447 : vector<24x256xf32>
      %div3A_451 = arith.constant 8.000000e+00 : f32
      %div3A_452 = vector.broadcast %div3A_451 : f32 to vector<24x256xf32>
      %div3A_453 = arith.divf %neg3A_450, %div3A_452 : vector<24x256xf32>
      %exp3A_454 = math.exp %div3A_453 : vector<24x256xf32>
      %convert_element_type3A_455 = arith.sitofp %min3A_384 : i32 to f32
      %sub3A_456 = vector.broadcast %convert_element_type3A_455 : f32 to vector<24x256xf32>
      %sub3A_457 = arith.subf %convert_element_type3A, %sub3A_456 : vector<24x256xf32>
      %abs3A_458 = math.absf %sub3A_457 : vector<24x256xf32>
      %le3A_459 = arith.constant 7.000000e+00 : f32
      %le3A_460 = vector.broadcast %le3A_459 : f32 to vector<24x256xf32>
      %le3A_461 = arith.cmpf ole, %abs3A_458, %le3A_460 : vector<24x256xf32>
      %convert_element_type3A_462 = arith.sitofp %min3A_405 : i32 to f32
      %sub3A_463 = arith.subf %convert_element_type3A_439, %convert_element_type3A_462 : f32
      %add3A_464 = vector.broadcast %sub3A_463 : f32 to vector<24x256xf32>
      %add3A_465 = arith.addf %convert_element_type3A_19, %add3A_464 : vector<24x256xf32>
      %abs3A_466 = math.absf %add3A_465 : vector<24x256xf32>
      %le3A_467 = arith.constant 7.000000e+00 : f32
      %le3A_468 = vector.broadcast %le3A_467 : f32 to vector<24x256xf32>
      %le3A_469 = arith.cmpf ole, %abs3A_466, %le3A_468 : vector<24x256xf32>
      %and3A_470 = arith.andi %le3A_461, %le3A_469 : vector<24x256xi1>
      %jit3A_471 = arith.constant 0.000000e+00 : f32
      %broadcast_in_dim3A_472 = vector.broadcast %jit3A_471 : f32 to vector<24x256xf32>
      %select_n3A_473 = arith.select %and3A_470, %exp3A_454, %broadcast_in_dim3A_472 : vector<24x256xi1>, vector<24x256xf32>
      %multiple_of3A_474 = tpu.assume_multiple %multiple_of3A_438, 8 : i32
      %get3A_475 = arith.index_cast %multiple_of3A_474 : i32 to index
      %get3A_476 = arith.constant 0 : index
      %get3A_477 = vector.load %arg6[%get3A_475, %get3A_476] : memref<256x256xf32, #tpu.memory_space<vmem>>, vector<24x256xf32>
      %max3A_478 = arith.maximumf %get3A_477, %select_n3A_473 : vector<24x256xf32>
      %swap3A_479 = arith.index_cast %multiple_of3A_474 : i32 to index
      %swap3A_480 = arith.constant 0 : index
      %swap3A_481 = vector.load %arg6[%swap3A_479, %swap3A_480] : memref<256x256xf32, #tpu.memory_space<vmem>>, vector<24x256xf32>
      tpu.vector_store %arg6[%swap3A_479, %swap3A_480], %max3A_478 {strides = array<i32>} : memref<256x256xf32, #tpu.memory_space<vmem>>, vector<24x256xf32>,
      %mul3A_482 = arith.constant 4 : i32
      %mul3A_483 = arith.muli %scan3A_92, %mul3A_482 : i32
      %add3A_484 = arith.constant 3 : i32
      %add3A_485 = arith.addi %mul3A_483, %add3A_484 : i32
      %get3A_486 = arith.index_cast %arg0 : i32 to index
      %get3A_487 = arith.constant 0 : index
      %get3A_488 = arith.index_cast %add3A_485 : i32 to index
      %get3A_489 = memref.load %arg1[%get3A_486, %get3A_487, %get3A_488] : memref<8x2x64xf32, #tpu.memory_space<smem>>
      %mul3A_490 = arith.constant 2.550000e+02 : f32
      %mul3A_491 = arith.mulf %get3A_489, %mul3A_490 : f32
      %get3A_492 = arith.index_cast %arg0 : i32 to index
      %get3A_493 = arith.constant 1 : index
      %get3A_494 = arith.index_cast %add3A_485 : i32 to index
      %get3A_495 = memref.load %arg1[%get3A_492, %get3A_493, %get3A_494] : memref<8x2x64xf32, #tpu.memory_space<smem>>
      %mul3A_496 = arith.constant 2.550000e+02 : f32
      %mul3A_497 = arith.mulf %get3A_495, %mul3A_496 : f32
      %convert_element_type3A_498 = arith.fptosi %mul3A_491 : f32 to i32
      %convert_element_type3A_499 = arith.sitofp %convert_element_type3A_498 : i32 to f32
      %sub3A_500 = arith.subf %mul3A_491, %convert_element_type3A_499 : f32
      %gt3A_501 = arith.constant 5.000000e-01 : f32
      %gt3A_502 = arith.cmpf ogt, %sub3A_500, %gt3A_501 : f32
      %eq3A_503 = arith.constant 5.000000e-01 : f32
      %eq3A_504 = arith.cmpf oeq, %sub3A_500, %eq3A_503 : f32
      %and3A_505 = arith.constant 1 : i32
      %and3A_506 = arith.andi %convert_element_type3A_498, %and3A_505 : i32
      %eq3A_507 = arith.constant 1 : i32
      %eq3A_508 = arith.cmpi eq, %and3A_506, %eq3A_507 : i32
      %and3A_509 = arith.andi %eq3A_504, %eq3A_508 : i1
      %or3A_510 = arith.ori %gt3A_502, %and3A_509 : i1
      %jit3A_511 = arith.constant 1 : i32
      %jit3A_512 = arith.constant 0 : i32
      %select_n3A_513 = arith.select %or3A_510, %jit3A_511, %jit3A_512 : i32
      %add3A_514 = arith.addi %convert_element_type3A_498, %select_n3A_513 : i32
      %jit3A_515 = arith.constant 0 : i32
      %jit3A_516 = arith.constant 255 : i32
      %max3A_517 = arith.maxsi %jit3A_515, %add3A_514 : i32
      %min3A_518 = arith.minsi %jit3A_516, %max3A_517 : i32
      %convert_element_type3A_519 = arith.fptosi %mul3A_497 : f32 to i32
      %convert_element_type3A_520 = arith.sitofp %convert_element_type3A_519 : i32 to f32
      %sub3A_521 = arith.subf %mul3A_497, %convert_element_type3A_520 : f32
      %gt3A_522 = arith.constant 5.000000e-01 : f32
      %gt3A_523 = arith.cmpf ogt, %sub3A_521, %gt3A_522 : f32
      %eq3A_524 = arith.constant 5.000000e-01 : f32
      %eq3A_525 = arith.cmpf oeq, %sub3A_521, %eq3A_524 : f32
      %and3A_526 = arith.constant 1 : i32
      %and3A_527 = arith.andi %convert_element_type3A_519, %and3A_526 : i32
      %eq3A_528 = arith.constant 1 : i32
      %eq3A_529 = arith.cmpi eq, %and3A_527, %eq3A_528 : i32
      %and3A_530 = arith.andi %eq3A_525, %eq3A_529 : i1
      %or3A_531 = arith.ori %gt3A_523, %and3A_530 : i1
      %jit3A_532 = arith.constant 1 : i32
      %jit3A_533 = arith.constant 0 : i32
      %select_n3A_534 = arith.select %or3A_531, %jit3A_532, %jit3A_533 : i32
      %add3A_535 = arith.addi %convert_element_type3A_519, %select_n3A_534 : i32
      %jit3A_536 = arith.constant 0 : i32
      %jit3A_537 = arith.constant 255 : i32
      %max3A_538 = arith.maxsi %jit3A_536, %add3A_535 : i32
      %min3A_539 = arith.minsi %jit3A_537, %max3A_538 : i32
      %sub3A_540 = arith.constant 7 : i32
      %sub3A_541 = arith.subi %min3A_539, %sub3A_540 : i32
      %max3A_542 = arith.constant 0 : i32
      %max3A_543 = arith.maxsi %sub3A_541, %max3A_542 : i32
      %jit3A_544 = arith.constant 8 : i32
      %div3A_545 = arith.divsi %max3A_543, %jit3A_544 : i32
      %sign3A_546 = arith.constant 0 : i32
      %sign3A_547 = arith.cmpi sgt, %max3A_543, %sign3A_546 : i32
      %sign3A_548 = arith.extui %sign3A_547 : i1 to i32
      %sign3A_549 = arith.constant 0 : i32
      %sign3A_550 = arith.cmpi slt, %max3A_543, %sign3A_549 : i32
      %sign3A_551 = arith.extui %sign3A_550 : i1 to i32
      %sign3A_552 = arith.subi %sign3A_548, %sign3A_551 : i32
      %sign3A_553 = arith.constant 0 : i32
      %sign3A_554 = arith.cmpi sgt, %jit3A_544, %sign3A_553 : i32
      %sign3A_555 = arith.extui %sign3A_554 : i1 to i32
      %sign3A_556 = arith.constant 0 : i32
      %sign3A_557 = arith.cmpi slt, %jit3A_544, %sign3A_556 : i32
      %sign3A_558 = arith.extui %sign3A_557 : i1 to i32
      %sign3A_559 = arith.subi %sign3A_555, %sign3A_558 : i32
      %ne3A_560 = arith.cmpi ne, %sign3A_552, %sign3A_559 : i32
      %rem3A_561 = arith.remsi %max3A_543, %jit3A_544 : i32
      %ne3A_562 = arith.constant 0 : i32
      %ne3A_563 = arith.cmpi ne, %rem3A_561, %ne3A_562 : i32
      %and3A_564 = arith.andi %ne3A_560, %ne3A_563 : i1
      %sub3A_565 = arith.constant 1 : i32
      %sub3A_566 = arith.subi %div3A_545, %sub3A_565 : i32
      %select_n3A_567 = arith.select %and3A_564, %sub3A_566, %div3A_545 : i32
      %mul3A_568 = arith.constant 8 : i32
      %mul3A_569 = arith.muli %select_n3A_567, %mul3A_568 : i32
      %min3A_570 = arith.constant 232 : i32
      %min3A_571 = arith.minsi %mul3A_569, %min3A_570 : i32
      %multiple_of3A_572 = tpu.assume_multiple %min3A_571, 8 : i32
      %convert_element_type3A_573 = arith.sitofp %multiple_of3A_572 : i32 to f32
      %sub3A_574 = arith.subf %convert_element_type3A_573, %mul3A_497 : f32
      %add3A_575 = vector.broadcast %sub3A_574 : f32 to vector<24x256xf32>
      %add3A_576 = arith.addf %convert_element_type3A_19, %add3A_575 : vector<24x256xf32>
      %sub3A_577 = vector.broadcast %mul3A_491 : f32 to vector<24x256xf32>
      %sub3A_578 = arith.subf %convert_element_type3A, %sub3A_577 : vector<24x256xf32>
      %integer_pow3A_579 = arith.mulf %sub3A_578, %sub3A_578 : vector<24x256xf32>
      %mul3A_580 = arith.mulf %add3A_576, %add3A_576 : vector<24x256xf32>
      %add3A_581 = arith.addf %integer_pow3A_579, %mul3A_580 : vector<24x256xf32>
      %neg3A_582 = arith.constant 0.000000e+00 : f32
      %neg3A_583 = vector.broadcast %neg3A_582 : f32 to vector<24x256xf32>
      %neg3A_584 = arith.subf %neg3A_583, %add3A_581 : vector<24x256xf32>
      %div3A_585 = arith.constant 8.000000e+00 : f32
      %div3A_586 = vector.broadcast %div3A_585 : f32 to vector<24x256xf32>
      %div3A_587 = arith.divf %neg3A_584, %div3A_586 : vector<24x256xf32>
      %exp3A_588 = math.exp %div3A_587 : vector<24x256xf32>
      %convert_element_type3A_589 = arith.sitofp %min3A_518 : i32 to f32
      %sub3A_590 = vector.broadcast %convert_element_type3A_589 : f32 to vector<24x256xf32>
      %sub3A_591 = arith.subf %convert_element_type3A, %sub3A_590 : vector<24x256xf32>
      %abs3A_592 = math.absf %sub3A_591 : vector<24x256xf32>
      %le3A_593 = arith.constant 7.000000e+00 : f32
      %le3A_594 = vector.broadcast %le3A_593 : f32 to vector<24x256xf32>
      %le3A_595 = arith.cmpf ole, %abs3A_592, %le3A_594 : vector<24x256xf32>
      %convert_element_type3A_596 = arith.sitofp %min3A_539 : i32 to f32
      %sub3A_597 = arith.subf %convert_element_type3A_573, %convert_element_type3A_596 : f32
      %add3A_598 = vector.broadcast %sub3A_597 : f32 to vector<24x256xf32>
      %add3A_599 = arith.addf %convert_element_type3A_19, %add3A_598 : vector<24x256xf32>
      %abs3A_600 = math.absf %add3A_599 : vector<24x256xf32>
      %le3A_601 = arith.constant 7.000000e+00 : f32
      %le3A_602 = vector.broadcast %le3A_601 : f32 to vector<24x256xf32>
      %le3A_603 = arith.cmpf ole, %abs3A_600, %le3A_602 : vector<24x256xf32>
      %and3A_604 = arith.andi %le3A_595, %le3A_603 : vector<24x256xi1>
      %jit3A_605 = arith.constant 0.000000e+00 : f32
      %broadcast_in_dim3A_606 = vector.broadcast %jit3A_605 : f32 to vector<24x256xf32>
      %select_n3A_607 = arith.select %and3A_604, %exp3A_588, %broadcast_in_dim3A_606 : vector<24x256xi1>, vector<24x256xf32>
      %multiple_of3A_608 = tpu.assume_multiple %multiple_of3A_572, 8 : i32
      %get3A_609 = arith.index_cast %multiple_of3A_608 : i32 to index
      %get3A_610 = arith.constant 0 : index
      %get3A_611 = vector.load %arg7[%get3A_609, %get3A_610] : memref<256x256xf32, #tpu.memory_space<vmem>>, vector<24x256xf32>
      %max3A_612 = arith.maximumf %get3A_611, %select_n3A_607 : vector<24x256xf32>
      %swap3A_613 = arith.index_cast %multiple_of3A_608 : i32 to index
      %swap3A_614 = arith.constant 0 : index
      %swap3A_615 = vector.load %arg7[%swap3A_613, %swap3A_614] : memref<256x256xf32, #tpu.memory_space<vmem>>, vector<24x256xf32>
      tpu.vector_store %arg7[%swap3A_613, %swap3A_614], %max3A_612 {strides = array<i32>} : memref<256x256xf32, #tpu.memory_space<vmem>>, vector<24x256xf32>,
    }
    %scan3A_23 = arith.constant 16 : i32
    %get3A = arith.constant 0 : index
    %get3A_24 = arith.constant 0 : index
    %get3A_25 = arith.constant 0 : index
    %get3A_26 = arith.constant 0 : index
    %get3A_27 = vector.load %arg2[%get3A, %get3A_24, %get3A_25, %get3A_26] : memref<1x1x256x256xf32, #tpu.memory_space<vmem>>, vector<1x1x256x256xf32>
    %get3A_28 = vector.shape_cast %get3A_27 : vector<1x1x256x256xf32> to vector<256x256xf32>
    %jit3A = arith.constant 9.99999997E-7 : f32
    %jit3A_29 = arith.constant 0.999998986 : f32
    %max3A = vector.broadcast %jit3A : f32 to vector<256x256xf32>
    %max3A_30 = arith.maximumf %max3A, %get3A_28 : vector<256x256xf32>
    %min3A = vector.broadcast %jit3A_29 : f32 to vector<256x256xf32>
    %min3A_31 = arith.minimumf %min3A, %max3A_30 : vector<256x256xf32>
    %get3A_32 = arith.constant 0 : index
    %get3A_33 = arith.constant 0 : index
    %get3A_34 = vector.load %arg4[%get3A_32, %get3A_33] : memref<256x256xf32, #tpu.memory_space<vmem>>, vector<256x256xf32>
    %get3A_35 = arith.constant 0 : index
    %get3A_36 = arith.constant 0 : index
    %get3A_37 = vector.load %arg5[%get3A_35, %get3A_36] : memref<256x256xf32, #tpu.memory_space<vmem>>, vector<256x256xf32>
    %max3A_38 = arith.maximumf %get3A_34, %get3A_37 : vector<256x256xf32>
    %get3A_39 = arith.constant 0 : index
    %get3A_40 = arith.constant 0 : index
    %get3A_41 = vector.load %arg6[%get3A_39, %get3A_40] : memref<256x256xf32, #tpu.memory_space<vmem>>, vector<256x256xf32>
    %max3A_42 = arith.maximumf %max3A_38, %get3A_41 : vector<256x256xf32>
    %get3A_43 = arith.constant 0 : index
    %get3A_44 = arith.constant 0 : index
    %get3A_45 = vector.load %arg7[%get3A_43, %get3A_44] : memref<256x256xf32, #tpu.memory_space<vmem>>, vector<256x256xf32>
    %max3A_46 = arith.maximumf %max3A_42, %get3A_45 : vector<256x256xf32>
    %eq3A = arith.constant 1.000000e+00 : f32
    %eq3A_47 = vector.broadcast %eq3A : f32 to vector<256x256xf32>
    %eq3A_48 = arith.cmpf oeq, %max3A_46, %eq3A_47 : vector<256x256xf32>
    %sub3A = arith.constant 1.000000e+00 : f32
    %sub3A_49 = vector.broadcast %sub3A : f32 to vector<256x256xf32>
    %sub3A_50 = arith.subf %sub3A_49, %min3A_31 : vector<256x256xf32>
    %select_n3A = arith.select %eq3A_48, %min3A_31, %sub3A_50 : vector<256x256xi1>, vector<256x256xf32>
    %log3A = math.log %select_n3A : vector<256x256xf32>
    %sub3A_51 = arith.constant 1.000000e+00 : f32
    %sub3A_52 = vector.broadcast %sub3A_51 : f32 to vector<256x256xf32>
    %sub3A_53 = arith.subf %sub3A_52, %max3A_46 : vector<256x256xf32>
    %mul3A = arith.mulf %sub3A_53, %sub3A_53 : vector<256x256xf32>
    %mul3A_54 = arith.mulf %mul3A, %mul3A : vector<256x256xf32>
    %mul3A_55 = arith.mulf %mul3A_54, %min3A_31 : vector<256x256xf32>
    %mul3A_56 = arith.mulf %mul3A_55, %min3A_31 : vector<256x256xf32>
    %sub3A_57 = arith.constant 1.000000e+00 : f32
    %sub3A_58 = vector.broadcast %sub3A_57 : f32 to vector<256x256xf32>
    %sub3A_59 = arith.subf %sub3A_58, %min3A_31 : vector<256x256xf32>
    %mul3A_60 = arith.mulf %sub3A_59, %sub3A_59 : vector<256x256xf32>
    %select_n3A_61 = arith.select %eq3A_48, %mul3A_60, %mul3A_56 : vector<256x256xi1>, vector<256x256xf32>
    %mul3A_62 = arith.mulf %select_n3A_61, %log3A : vector<256x256xf32>
    %reduce_sum3A = vector.shape_cast %mul3A_62 : vector<256x256xf32> to vector<1x256x256xf32>
    %reduce_sum3A_63 = arith.constant dense<0.000000e+00> : vector<1xf32>
    %reduce_sum3A_64 = vector.multi_reduction <add>, %reduce_sum3A, %reduce_sum3A_63 [1, 2] : vector<1x256x256xf32> to vector<1xf32>
    %reduce_sum3A_65 = vector.shape_cast %reduce_sum3A_64 : vector<1xf32> to vector<1x1x1xf32>
    %reduce_sum3A_66 = vector.extract %reduce_sum3A_65[0, 0, 0] : f32 from vector<1x1x1xf32>
    %neg3A = arith.constant 0.000000e+00 : f32
    %neg3A_67 = arith.subf %neg3A, %reduce_sum3A_66 : f32
    %convert_element_type3A_68 = arith.extui %eq3A_48 : vector<256x256xi1> to vector<256x256xi32>
    %convert_element_type3A_69 = arith.sitofp %convert_element_type3A_68 : vector<256x256xi32> to vector<256x256xf32>
    %reduce_sum3A_70 = vector.shape_cast %convert_element_type3A_69 : vector<256x256xf32> to vector<1x256x256xf32>
    %reduce_sum3A_71 = arith.constant dense<0.000000e+00> : vector<1xf32>
    %reduce_sum3A_72 = vector.multi_reduction <add>, %reduce_sum3A_70, %reduce_sum3A_71 [1, 2] : vector<1x256x256xf32> to vector<1xf32>
    %reduce_sum3A_73 = vector.shape_cast %reduce_sum3A_72 : vector<1xf32> to vector<1x1x1xf32>
    %reduce_sum3A_74 = vector.extract %reduce_sum3A_73[0, 0, 0] : f32 from vector<1x1x1xf32>
    %iota3A_75 = tpu.iota {dimensions = array<i32: 2>} : vector<1x1x8xi32>
    %eq3A_76 = arith.constant 0 : i32
    %eq3A_77 = vector.broadcast %eq3A_76 : i32 to vector<1x1x8xi32>
    %eq3A_78 = arith.cmpi eq, %iota3A_75, %eq3A_77 : vector<1x1x8xi32>
    %eq3A_79 = arith.constant 1 : i32
    %eq3A_80 = vector.broadcast %eq3A_79 : i32 to vector<1x1x8xi32>
    %eq3A_81 = arith.cmpi eq, %iota3A_75, %eq3A_80 : vector<1x1x8xi32>
    %jit3A_82 = arith.constant 0.000000e+00 : f32
    %broadcast_in_dim3A_83 = vector.broadcast %reduce_sum3A_74 : f32 to vector<1x1x8xf32>
    %broadcast_in_dim3A_84 = vector.broadcast %jit3A_82 : f32 to vector<1x1x8xf32>
    %select_n3A_85 = arith.select %eq3A_81, %broadcast_in_dim3A_83, %broadcast_in_dim3A_84 : vector<1x1x8xi1>, vector<1x1x8xf32>
    %broadcast_in_dim3A_86 = vector.broadcast %neg3A_67 : f32 to vector<1x1x8xf32>
    %select_n3A_87 = arith.select %eq3A_78, %broadcast_in_dim3A_86, %select_n3A_85 : vector<1x1x8xi1>, vector<1x1x8xf32>
    %swap3A_88 = arith.constant 0 : index
    %swap3A_89 = arith.constant 0 : index
    %swap3A_90 = arith.constant 0 : index
    %swap3A_91 = vector.load %arg3[%swap3A_88, %swap3A_89, %swap3A_90] : memref<1x1x8xf32, #tpu.memory_space<vmem>>, vector<1x1x8xf32>
    tpu.vector_store %arg3[%swap3A_88, %swap3A_89, %swap3A_90], %select_n3A_87 {strides = array<i32>} : memref<1x1x8xf32, #tpu.memory_space<vmem>>, vector<1x1x8xf32>,
    return
  }
  func.func @transform_0(%arg0: i32) -> (i32, i32, i32) {
    %c0_i32 = arith.constant 0 : i32
    %c0_i32_0 = arith.constant 0 : i32
    %c0_i32_1 = arith.constant 0 : i32
    %c0_i32_2 = arith.constant 0 : i32
    return %c0_i32, %c0_i32_0, %c0_i32_1 : i32, i32, i32
  }
  func.func @transform_1(%arg0: i32) -> (i32, i32, i32, i32) {
    %c0_i32 = arith.constant 0 : i32
    %c0_i32_0 = arith.constant 0 : i32
    %c0_i32_1 = arith.constant 0 : i32
    %c0_i32_2 = arith.constant 0 : i32
    return %arg0, %c0_i32, %c0_i32_0, %c0_i32_1 : i32, i32, i32, i32
  }
  func.func @transform_2(%arg0: i32) -> (i32, i32, i32) {
    %c0_i32 = arith.constant 0 : i32
    %c0_i32_0 = arith.constant 0 : i32
    %c0_i32_1 = arith.constant 0 : i32
    return %arg0, %c0_i32, %c0_i32_0 : i32, i32, i32
  }
}

</mosaic_0001>

<sc_bundles>
// kernel: kernel.4.cloned.1.call-start
scs
__scs_entry_jumppad:
0x0: {  	(pc) =	sbr.rel $0x88, $3  }
0x1: {  	(tag) =	ssettag $0x0;
	lr =	simm.s32 $0x1  }
0x2: {  	[smem:$0x3F9C] =	sst lr;
	_ =	strace $0xD0000000  }
0x3: {  	_ = 	snop  }
0x4: {  	_ = 	snop  }
0x5: {  	_ = 	snop  }
0x6: {  	_ = 	snop  }
0x7: {  	_ = 	snop  }
__scs_overlays_trampoline_lowered:
0x8: {  	[smem:$0x3FAB] =	sst s0  }
0x9: {  	[smem:$0x3FAC] =	sst s1  }
0xa: {  	[smem:$0x3FAD] =	sst s2  }
0xb: {  	[smem:$0x3FAE] =	sst s3  }
0xc: {  	[smem:$0x3FAF] =	sst s4  }
0xd: {  	[smem:$0x3FB0] =	sst s5  }
0xe: {  	[smem:$0x3FB1] =	sst s6  }
0xf: {  	[smem:$0x3FB2] =	sst s7  }
0x10: {  	[smem:$0x3FB3] =	sst s8  }
0x11: {  	[smem:$0x3FB4] =	sst s9;
	s0 =	simm.s32 @!p0 $0x0  }
0x12: {  	s1 =	sld [smem:$0x3F9A];
	s0 =	simm.s32 @p0 $0x1  }
0x13: {  	[smem:$0x3FB5] =	sst s0;
	s0 =	simm.s32 @!p1 $0x0  }
0x14: {  	s2 =	sld [smem:$0x3F99];
	s0 =	simm.s32 @p1 $0x1  }
0x15: {  	[smem:$0x3FB6] =	sst s0;
	s0 =	simm.s32 @!p2 $0x0  }
0x16: {  	s3 =	sld [smem:$0x3FDB];
	s0 =	simm.s32 @p2 $0x1  }
0x17: {  	s4 =	simm.s32 $0x1BF5;
	[smem:$0x3FB8] =	sst s0  }
0x18: {  	s0 =	sld [smem:$0x3F9B];
	_ =	swait.ge [sflag:s4], $0x0  }
0x19: {  	s7 =	sld [smem:$0x3F9C]  }
0x1a: {  	s8 =	sadd.s32 $0xFFFFE003, lr  }
0x1b: {  	s9 =	sadd.s32 $0xFFFFFEF7, lr;
	s5 =	simm.s32 $0xFFFFFFFF;
	p2 =	slt.u32 s8, $0xFFFFF086  }
0x1c: {  	p1 =	slt.u32 s9, $0xF7A;
	s5 =	simm.s32 @!p2 $0x0  }
0x1d: {  	s5 =	simm.s32 @p1 $0x1;
	p0 =	seq.s32 s7, s2  }
0x1e: {  	s7 =	smul.u32 @!p0 $0xF7A, s2;
	p2 =	seq.s32 @!p0 s5, $0x0  }
0x1f: {  	s9 =	smul.u32 $0xF7A, s1;
	s8 =	simm.s32 @!p0 $0x1BF5;
	p2 =	por !p2, p0  }
0x20: {  	[sflag:s8] =	ssyncset.s32 @!p0 $0xFFFFF086;
	s6 =	sadd.s32 @!p0 s3, s7;
	s7 =	simm.s32 @!p0 $0x108  }
0x21: {  	s3 =	sadd.s32 s3, s9;
	s6 =	sadd.s32 @!p0 $0x88, s6;
	s7 =	simm.s32 @p2 $0x1082  }
0x22: {  	[simem:s7], [sflag:s8] =	dma.local @!p0 [hbm:s6], $0xF7A  }
0x23: {  	s9 =	sor.u32 $0xD0000000, s2;
	s6 =	simm.s32 $0x108;
	_ =	swait.ge @!p0 [sflag:s8], $0x0  }
0x24: {  	s3 =	sadd.s32 $0x88, s3;
	s6 =	simm.s32 @!p1 $0x1082;
	[sflag:s4] =	ssyncset.s32 $0xFFFFF086  }
0x25: {  	[simem:s6], [sflag:s4] =	dma.local [hbm:s3], $0xF7A  }
0x26: {  	[smem:$0x3F9C] =	sst s1;
	(tag) =	ssettag s2;
	_ =	strace s9  }
0x27: {  	s1 =	sld [smem:$0x3FAC]  }
0x28: {  	s2 =	sld [smem:$0x3FAD]  }
0x29: {  	s4 =	sld [smem:$0x3FAF]  }
0x2a: {  	p0 =	seq.s32 s5, $0x0;
	s5 =	sld [smem:$0x3FB0]  }
0x2b: {  	s6 =	sld [smem:$0x3FB1]  }
0x2c: {  	s7 =	sld [smem:$0x3FB2]  }
0x2d: {  	s3 =	simm.s32 $0x108;
	s8 =	sld [smem:$0x3FB3]  }
0x2e: {  	s3 =	simm.s32 @!p0 $0x1082;
	s9 =	sld [smem:$0x3FB4]  }
0x2f: {  	lr =	sadd.s32 s0, s3;
	s0 =	sld [smem:$0x3FAB]  }
0x30: {  	s3 =	sld [smem:$0x3FAE]  }
0x31: {  	[smem:$0x3FB7] =	sst s10  }
0x32: {  	s10 =	sld [smem:$0x3FB5];
	_ =	sdelay $0x3  }
0x33: {  	p0 =	seq.s32 s10, $0x1;
	s10 =	sld [smem:$0x3FB7];
	_ =	sdelay $0x3  }
0x34: {  	[smem:$0x3FB7] =	sst s10  }
0x35: {  	s10 =	sld [smem:$0x3FB6];
	_ =	sdelay $0x3  }
0x36: {  	p1 =	seq.s32 s10, $0x1;
	s10 =	sld [smem:$0x3FB7];
	_ =	sdelay $0x3  }
0x37: {  	[smem:$0x3FB7] =	sst s10  }
0x38: {  	s10 =	sld [smem:$0x3FB8]  }
0x39: {  	_ = 	snop;
	(pc) =	sbr.ind lr, $3  }
0x3a: {  	_ = 	snop  }
0x3b: {  	_ = 	snop  }
0x3c: {  	p2 =	seq.s32 s10, $0x1;
	s10 =	sld [smem:$0x3FB7]  }
0x3d: {  	_ =	shalt  }
0x3e: {  	_ =	shalt  }
0x3f: {  	_ =	shalt  }
0x40: {  	_ =	shalt  }
0x41: {  	_ =	shalt  }
0x42: {  	_ =	shalt  }
0x43: {  	_ =	shalt  }
0x44: {  	_ =	shalt  }
0x45: {  	_ =	shalt  }
0x46: {  	_ =	shalt  }
0x47: {  	_ =	shalt  }
0x48: {  	_ =	shalt  }
0x49: {  	_ =	shalt  }
0x4a: {  	_ =	shalt  }
0x4b: {  	_ =	shalt  }
0x4c: {  	_ =	shalt  }
0x4d: {  	_ =	shalt  }
0x4e: {  	_ =	shalt  }
0x4f: {  	_ =	shalt  }
0x50: {  	_ =	shalt  }
0x51: {  	_ =	shalt  }
0x52: {  	_ =	shalt  }
0x53: {  	_ =	shalt  }
0x54: {  	_ =	shalt  }
0x55: {  	_ =	shalt  }
0x56: {  	_ =	shalt  }
0x57: {  	_ =	shalt  }
0x58: {  	_ =	shalt  }
0x59: {  	_ =	shalt  }
0x5a: {  	_ =	shalt  }
0x5b: {  	_ =	shalt  }
0x5c: {  	_ =	shalt  }
0x5d: {  	_ =	shalt  }
0x5e: {  	_ =	shalt  }
0x5f: {  	_ =	shalt  }
0x60: {  	_ =	shalt  }
0x61: {  	_ =	shalt  }
0x62: {  	_ =	shalt  }
0x63: {  	_ =	shalt  }
0x64: {  	_ =	shalt  }
0x65: {  	_ =	shalt  }
0x66: {  	_ =	shalt  }
0x67: {  	_ =	shalt  }
0x68: {  	_ =	shalt  }
0x69: {  	_ =	shalt  }
0x6a: {  	_ =	shalt  }
0x6b: {  	_ =	shalt  }
0x6c: {  	_ =	shalt  }
0x6d: {  	_ =	shalt  }
0x6e: {  	_ =	shalt  }
0x6f: {  	_ =	shalt  }
0x70: {  	_ =	shalt  }
0x71: {  	_ =	shalt  }
0x72: {  	_ =	shalt  }
0x73: {  	_ =	shalt  }
0x74: {  	_ =	shalt  }
0x75: {  	_ =	shalt  }
0x76: {  	_ =	shalt  }
0x77: {  	_ =	shalt  }
0x78: {  	_ =	shalt  }
0x79: {  	_ =	shalt  }
0x7a: {  	_ =	shalt  }
0x7b: {  	_ =	shalt  }
0x7c: {  	_ =	shalt  }
0x7d: {  	_ =	shalt  }
0x7e: {  	_ =	shalt  }
0x7f: {  	_ =	shalt  }
0x80: {  	_ =	shalt  }
0x81: {  	_ =	shalt  }
0x82: {  	_ =	shalt  }
0x83: {  	_ =	shalt  }
0x84: {  	_ =	shalt  }
0x85: {  	_ =	shalt  }
0x86: {  	_ =	shalt  }
0x87: {  	_ =	shalt  }
.Lfunc_end0:
.L_simem_size_0:
called_computation_lowered:
.L_overlay_start_0:
0x88: {  	s2 =	sld [smem:$0x3FD9]  }
0x89: {  	s3 =	sld [smem:$0x3FFE];
	_ =	sdelay $0x1  }
0x8a: {  	s1 =	srdreg.scid  }
0x8b: {  	s0 =	sand.u32 $0x1, s1  }
0x8c: {  	s16 =	sshll.u32 s0, $0xA;
	s2 =	sadd.s32 s3, s2  }
0x8d: {  	s2 =	sadd.s32 s2, s16  }
0x8e: {  	[smem:$0x3FC3] =	sst s2  }
0x8f: {  	_ = 	snop  }
0x90: {  	(tm) =	ssettm $0x1  }
0x91: {  	s17 =	sld [smem:$0x3FFB];
	_ =	sdelay $0x3  }
0x92: {  	_ =	strace s17  }
0x93: {  	s2 =	sld [smem:$0x3FFC];
	_ =	sdelay $0x3  }
0x94: {  	_ =	strace s2  }
0x95: {  	s2 =	sld [smem:$0x3FFD];
	_ =	sdelay $0x3  }
0x96: {  	_ =	strace s2  }
0x97: {  	_ =	strace $0x8FFFFFFF  }
0x98: {  	s18 =	sld [smem:$0x3FDB];
	_ =	sdelay $0x1  }
0x99: {  	s19 =	simm.s32 $_scs_section_size  }
0x9a: {  	s4 =	simm.s32 $_size__tile_overlayer_lowered;
	s5 =	simm.s32 $_tile_overlayer_lowered  }
0x9b: {  	s22 =	simm.s32 $0x1BFF;
	s21 =	sshll.u32 s5, $0x1;
	s2 =	sadd.s32 s19, s18  }
0x9c: {  	s6 =	simm.s32 $0x0;
	s20 =	sshll.u32 s4, $0x1;
	s4 =	sadd.s32 s21, s2  }
0x9d: {  	[timem:s6], [sflag:s22] =	dma.local [hbm:s4], s20  }
0x9e: {  	_ =	swait.ge [sflag:s22], s20  }
0x9f: {  	s3 =	ssub.s32 $0x0, s20;
	[sflag:s22] =	ssyncset.done $0x0  }
0xa0: {  	[sflag:s22] =	ssyncadd.s32 s3;
	_ =	sdelay $0x1  }
0xa1: {  	s23 =	simm.s32 $0x1B8B  }
0xa2: {  	_ =	swait.ge [sflag:s23], $0x1  }
0xa3: {  	[sflag:s23] =	ssyncset.done $0x0  }
0xa4: {  	s25 =	simm.s32 $0x1B8E;
	s24 =	sld [smem:$0x3FFE];
	[sflag:s23] =	ssyncadd.s32 $0xFFFFFFFF  }
0xa5: {  	s26 =	simm.s32 $execute0_lowered;
	[smem:$0x3FD2] =	sst s25  }
0xa6: {  	s4 =	sshll.u32 s26, $0x1;
	_ =	strace $0x80000046;
	[dreg:$0x1] =	wrdreg $0xFFFFFFFF  }
0xa7: {  	s28 =	simm.s32 $_size_execute0_lowered;
	s2 =	sadd.s32 s2, s4;
	[dreg:$0x0] =	wrdreg $0x0  }
0xa8: {  	s4 =	sshll.u32 s28, $0x1;
	[dreg:$0x2] =	wrdreg s2  }
0xa9: {  	[dreg:$0x3] =	wrdreg s4  }
0xaa: {  	[dreg:$0x4] =	wrdreg $0xC0  }
0xab: {  	_ =	task [dreg:s6], $0x5FFFF  }
0xac: {  	[dreg:$0x1] =	wrdreg $0xFFFFFFFF  }
0xad: {  	[dreg:$0x0] =	wrdreg $0x60  }
0xae: {  	[dreg:$0x2] =	wrdreg s24  }
0xaf: {  	[dreg:$0x3] =	wrdreg $0x9  }
0xb0: {  	_ =	task.clear_ibuf [dreg:s6], $0x4FFFF;
	_ =	strace $0x90000046  }
0xb1: {  	s29 =	simm.s32 $0x9;
	_ =	strace $0x80000048  }
0xb2: {  	_ =	swait.ge [sflag:s29], $0x1  }
0xb3: {  	[sflag:s29] =	ssyncadd.s32 $0xFFFFFFFF  }
0xb4: {  	_ =	strace $0x90000048  }
0xb5: {  	_ =	sfence  }
0xb6: {  	s30 =	sld [smem:$0x0];
	_ =	sdelay $0x2  }
0xb7: {  	s31 =	sshll.u32 s1, $0xD;
	s1 =	sshrl.u32 s1, $0x2  }
0xb8: {  	s3 =	sand.u32 $0x4000, s31;
	s1 =	sadd.s32 s1, s30  }
0xb9: {  	s0 =	sor.u32 s3, s0;
	s1 =	sshll.u32 s1, $0x11  }
0xba: {  	s0 =	sor.u32 s1, s0  }
0xbb: {  	s0 =	sadd.s32 $0x8F2B, s0  }
0xbc: {  	[sflag:s0] =	ssyncadd.remote.s32 $0x1  }
0xbd: {  	_ =	sfence.sel $0xFFFF  }
0xbe: {  	[dreg:$0x0] =	wrdreg $0xFFFFFFFF;
	(pc) =	sbr.abs _section_cstart, $3  }
0xbf: {  	[dreg:$0x1] =	wrdreg $0xFFFFFFFF  }
0xc0: {  	_ =	task.clear_ibuf [dreg:s6], $0x2FFFF;
	_ =	strace $0x9FFFFFFF  }
0xc1: {  	(tm) =	ssettm $0x7FFFFFFF  }
tec
execute0_lowered:
.L_overlay_start_1:
0x0: {  	(tag) =	ssettag $0x1  }
0x1: {  	s6 =	rddreg [dreg:$0x0]  }
0x2: {  	s0 =	rddreg [dreg:$0x1]  }
0x3: {  	s1 =	simm.s32 $0x0;
	s5 =	srdreg.scid;
	s2 =	stileid.u32  }
0x4: {  	s15 =	simm.s32 $0x300;
	s16 =	simm.s32 $0x1;
	s17 =	simm.s32 $0x2  }
0x5: {  	s18 =	simm.s32 $0x380;
	[smem:$0x7FF] =	sst s1;
	s3 =	sadd.s32 $0x200, s6  }
0x6: {  	s4 =	sadd.s32 $0x20200, s6;
	s5 =	sand.u32 $0x1, s5;
	s7 =	sshll.u32 s2, $0x5  }
0x7: {  	s9 =	sshrl.u32 s2, $0x1;
	_ =	strace $0x80000047;
	s8 =	sshll.u32 s5, $0x4  }
0x8: {  	s5 =	ssub.s32 $0x2, s5;
	s10 =	smul.u32 $0x18, s9;
	s12 =	sshll.u32 s9, $0x11  }
0x9: {  	s14 =	sshll.u32 s9, $0x10;
	s9 =	simm.s32 $0x3;
	s7 =	sor.u32 s8, s7  }
0xa: {  	s31 =	sshrl.u32 s5, $0x1;
	s13 =	sor.u32 $0x10000, s12;
	v0 =	vmov s12;
	s12 =	simm.s32 $0x280  }
0xb: {  	v2 =	vmov s14;
	s14 =	simm.s32 $0x200;
	s11 =	sadd.s32 s7, s6;
	s8 =	ssub.s32 s5, s31  }
0xc: {  	s5 =	sand.u32 $0x30, s7;
	s6 =	sadd.s32 s6, s10;
	s10 =	simm.s32 $0x20  }
0xd: {  	v3 =	vimm.s32 $0x0;
	v4 =	vimm.s32 $0xFFFFFFFF;
	v1 =	vmov s13;
	s13 =	simm.s32 $0x10;
	s7 =	sadd.s32 $0x30200, s11;
	s19 =	sor.u32 $0x100, s5  }
0xe: {  	vm0 =	vmxor vm0, vm0;
	v5 =	vimm.f32 $1.000000000e+00;
	s8 =	smax.u32 s8, $0x1;
	s11 =	simm.s32 $0x180;
	v6 =	vmov s19;
	s19 =	simm.s32 $0x0  }
.LBB2_1:
0xf: {  	[tilespmem:s1], [sflag:$0x3] =	stream.linear.gather [hbm4b:s6+s1], $0xC0, $0x38;
	[tilespmem:$0x400] =	vst v63  }
0x10: {  	_ =	swait.ge [sflag:s9], $0xC0  }
0x11: {  	[sflag:s9] =	ssyncset.done $0x0  }
0x12: {  	[sflag:s9] =	ssyncadd.s32 $0xFFFFFF40  }
0x13: {  	v8 =	vld [tilespmem:s5+$0x40]  }
0x14: {  	v7 =	vld [tilespmem:s5+$0x0];
	_ =	sdelay $0x3  }
0x15: {  	v8 =	vmul.f32 $2.550000000e+02, v8  }
0x16: {  	v7 =	vmul.f32 $2.550000000e+02, v7  }
0x17: {  	v10 =	vtrunc.f32 v8  }
0x18: {  	v9 =	vtrunc.f32 v7;
	v10 =	vcvt.f32.s32 v10  }
0x19: {  	v9 =	vcvt.f32.s32 v9  }
0x1a: {  	v12 =	vcvt.s32.f32 v10  }
0x1b: {  	v11 =	vcvt.s32.f32 v9  }
0x1c: {  	v12 =	vsub.f32 v8, v12  }
0x1d: {  	v13 =	vand.u32 $0x1, v10;
	v14 =	vand.u32 $0x1, v9;
	v11 =	vsub.f32 v7, v11  }
0x1e: {  	vm3 =	veq.s32 v13, $0x1;
	vm4 =	veq.s32 v14, $0x1;
	vm2 =	veq.f32 v12, $5.000000000e-01  }
0x1f: {  	vm1 =	veq.f32 v11, $5.000000000e-01;
	vm5 =	vgt.f32 v12, $5.000000000e-01;
	vm2 =	vmand vm2, vm3  }
0x20: {  	vm3 =	vgt.f32 v11, $5.000000000e-01;
	vm1 =	vmand vm1, vm4;
	vm2 =	vmor vm5, vm2  }
0x21: {  	vm1 =	vmor vm3, vm1;
	v11 =	vsel vm2, $0x1, v3  }
0x22: {  	v12 =	vsel vm1, $0x1, v3;
	v10 =	vadd.s32 v10, v11  }
0x23: {  	v9 =	vadd.s32 v9, v12;
	vm1 =	vgt.s32 v10, $0x0  }
0x24: {  	vm2 =	vgt.s32 v9, $0x0;
	v10 =	vnsel vm1, $0x0, v10  }
0x25: {  	v9 =	vnsel vm2, $0x0, v9;
	v11 =	vmin.u32 v10, $0xFF  }
0x26: {  	v12 =	vmin.u32 v9, $0xFF;
	v9 =	vshll.u32 v11, $0x8  }
0x27: {  	v10 =	vor.u32 v12, v9  }
0x28: {  	v13 =	vor.u32 v0, v10  }
0x29: {  	v9 =	vld [tilespmem:s5+$0x80];
	[tilespmem:$0x180] =	vst v13;
	v13 =	vor.u32 v1, v10  }
0x2a: {  	[tilespmem:$0x190] =	vst v13;
	v13 =	vor.u32 v2, v10  }
0x2b: {  	[tilespmem:$0x200] =	vst v13  }
0x2c: {  	[tilespmem:s12], [sflag:$0x1] =	stream.indirect.gather [hbm4b:s3+s10], $0x1, s11, s10, $0xb8;
	[tilespmem:$0x400] =	vst v63  }
0x2d: {  	_ = 	snop  }
0x2e: {  	[tilespmem:s15], [sflag:$0x2] =	stream.indirect.gather [hbm4b:s4+s13], $0x1, s14, s13, $0xb8;
	[tilespmem:$0x400] =	vst v63  }
0x2f: {  	v13 =	vld [tilespmem:$0x0];
	_ =	sdelay $0x2  }
0x30: {  	v14 =	vld [tilespmem:$0x40];
	_ =	sdelay $0x1  }
0x31: {  	v13 =	vmul.f32 $2.550000000e+02, v13;
	_ =	sdelay $0x1  }
0x32: {  	v19 =	vld [tilespmem:$0x50];
	v15 =	vtrunc.f32 v13  }
0x33: {  	v14 =	vmul.f32 $2.550000000e+02, v14;
	v15 =	vcvt.f32.s32 v15;
	_ =	sdelay $0x1  }
0x34: {  	v18 =	vld [tilespmem:$0x10];
	v17 =	vtrunc.f32 v14;
	v16 =	vcvt.s32.f32 v15  }
0x35: {  	v34 =	vcvt.f32.s32 v17  }
0x36: {  	v19 =	vmul.f32 $2.550000000e+02, v19;
	v13 =	vsub.f32 v13, v16  }
0x37: {  	v35 =	vand.u32 $0x1, v15;
	v36 =	vcvt.s32.f32 v34;
	v38 =	vand.u32 $0x1, v34  }
0x38: {  	vm2 =	veq.s32 v35, $0x1;
	vm1 =	veq.f32 v13, $5.000000000e-01;
	vm3 =	vgt.f32 v13, $5.000000000e-01  }
0x39: {  	v13 =	vsub.f32 v14, v36;
	v14 =	vmul.f32 $2.550000000e+02, v18;
	vm1 =	vmand vm1, vm2  }
0x3a: {  	v41 =	vtrunc.f32 v19;
	vm2 =	veq.s32 v38, $0x1;
	vm1 =	vmor vm3, vm1  }
0x3b: {  	v20 =	vtrunc.f32 v14;
	v37 =	vsel vm1, $0x1, v3;
	vm1 =	veq.f32 v13, $5.000000000e-01  }
0x3c: {  	v46 =	vld [tilespmem:$0x30];
	vm3 =	vgt.f32 v13, $5.000000000e-01;
	v39 =	vcvt.f32.s32 v20;
	vm1 =	vmand vm1, vm2  }
0x3d: {  	v13 =	vld [tilespmem:$0x20];
	v20 =	vcvt.f32.s32 v41;
	v15 =	vadd.s32 v15, v37;
	vm1 =	vmor vm3, vm1  }
0x3e: {  	v40 =	vcvt.s32.f32 v39;
	vm2 =	vgt.s32 v15, $0x0;
	v42 =	vand.u32 $0x1, v39  }
0x3f: {  	v43 =	vcvt.s32.f32 v20;
	v44 =	vand.u32 $0x1, v20;
	v21 =	vsel vm1, $0x1, v3  }
0x40: {  	v15 =	vnsel vm2, $0x0, v15;
	vm3 =	veq.s32 v42, $0x1;
	vm8 =	veq.s32 v44, $0x1  }
0x41: {  	v16 =	vadd.s32 v34, v21;
	v14 =	vsub.f32 v14, v40;
	v21 =	vmul.f32 $2.550000000e+02, v46  }
0x42: {  	v22 =	vld [tilespmem:$0x60];
	v15 =	vmin.u32 v15, $0xFF;
	vm1 =	vgt.s32 v16, $0x0;
	v13 =	vmul.f32 $2.550000000e+02, v13  }
0x43: {  	vm2 =	veq.f32 v14, $5.000000000e-01;
	vm15 =	vgt.f32 v14, $5.000000000e-01;
	v14 =	vsub.f32 v19, v43  }
0x44: {  	v16 =	vnsel vm1, $0x0, v16;
	v24 =	vtrunc.f32 v21;
	vm2 =	vmand vm2, vm3  }
0x45: {  	v45 =	vtrunc.f32 v13;
	v24 =	vcvt.f32.s32 v24;
	v16 =	vmin.u32 v16, $0xFF  }
0x46: {  	v52 =	vld [tilespmem:$0x70];
	vm2 =	vmor vm15, vm2;
	vm3 =	veq.f32 v14, $5.000000000e-01;
	v47 =	vcvt.f32.s32 v45  }
0x47: {  	vm9 =	vgt.f32 v14, $5.000000000e-01;
	v14 =	vmul.f32 $2.550000000e+02, v22;
	v16 =	vshll.u32 v16, $0x8  }
0x48: {  	vm3 =	vmand vm3, vm8;
	v48 =	vsel vm2, $0x1, v3;
	v54 =	vcvt.s32.f32 v24  }
0x49: {  	v15 =	vor.u32 v15, v16;
	vm2 =	vmor vm9, vm3;
	v49 =	vcvt.s32.f32 v47  }
0x4a: {  	v18 =	vadd.s32 v39, v48;
	v23 =	vtrunc.f32 v14;
	v50 =	vsel vm2, $0x1, v3  }
0x4b: {  	v51 =	vcvt.f32.s32 v23;
	vm1 =	vgt.s32 v18, $0x0;
	v23 =	vmul.f32 $2.550000000e+02, v52  }
0x4c: {  	v55 =	vsub.f32 v21, v54;
	v13 =	vsub.f32 v13, v49;
	v19 =	vadd.s32 v20, v50  }
0x4d: {  	v18 =	vnsel vm1, $0x0, v18;
	v53 =	vcvt.s32.f32 v51;
	vm10 =	vgt.s32 v19, $0x0  }
0x4e: {  	v56 =	vtrunc.f32 v23;
	vm14 =	vgt.f32 v55, $5.000000000e-01;
	vm2 =	vgt.f32 v13, $5.000000000e-01  }
0x4f: {  	vm3 =	veq.f32 v13, $5.000000000e-01;
	v13 =	vand.u32 $0x1, v47;
	v20 =	vcvt.f32.s32 v56  }
0x50: {  	vm11 =	veq.s32 v13, $0x1;
	v13 =	vsub.f32 v14, v53;
	v14 =	vand.u32 $0x1, v51  }
0x51: {  	v18 =	vmin.u32 v18, $0xFF;
	vm1 =	veq.s32 v14, $0x1;
	vm3 =	vmand vm3, vm11  }
0x52: {  	v14 =	vnsel vm10, $0x0, v19;
	v58 =	vand.u32 $0x1, v20;
	vm2 =	vmor vm2, vm3  }
0x53: {  	vm3 =	veq.f32 v13, $5.000000000e-01;
	vm12 =	vgt.f32 v13, $5.000000000e-01;
	v13 =	vand.u32 $0x1, v24  }
0x54: {  	v14 =	vmin.u32 v14, $0xFF;
	vm13 =	veq.s32 v13, $0x1;
	v13 =	vcvt.s32.f32 v20  }
0x55: {  	vm1 =	vmand vm3, vm1;
	vm3 =	veq.f32 v55, $5.000000000e-01;
	v57 =	vsel vm2, $0x1, v3  }
0x56: {  	vm2 =	veq.s32 v58, $0x1;
	v14 =	vshll.u32 v14, $0x8;
	v13 =	vsub.f32 v23, v13  }
0x57: {  	vm1 =	vmor vm12, vm1;
	vm3 =	vmand vm3, vm13;
	v14 =	vor.u32 v18, v14  }
0x58: {  	v59 =	vadd.s32 v47, v57;
	vm3 =	vmor vm14, vm3;
	vm15 =	veq.f32 v13, $5.000000000e-01  }
0x59: {  	v60 =	vsel vm1, $0x1, v3;
	vm1 =	vgt.f32 v13, $5.000000000e-01;
	vm2 =	vmand vm15, vm2  }
0x5a: {  	v61 =	vsel vm3, $0x1, v3;
	v13 =	vadd.s32 v51, v60;
	vm1 =	vmor vm1, vm2  }
0x5b: {  	[tilespmem:$0x140] =	vst v4;
	v17 =	vadd.s32 v24, v61;
	vm2 =	vgt.s32 v59, $0x0;
	v62 =	vsel vm1, $0x1, v3  }
0x5c: {  	[tilespmem:$0x150] =	vst v4;
	v16 =	vnsel vm2, $0x0, v59;
	vm1 =	vgt.s32 v13, $0x0;
	v18 =	vadd.s32 v20, v62  }
0x5d: {  	[tilespmem:$0x160] =	vst v4;
	v13 =	vnsel vm1, $0x0, v13;
	vm1 =	vgt.s32 v17, $0x0;
	vm2 =	vgt.s32 v18, $0x0  }
0x5e: {  	[tilespmem:$0x100] =	vst v15;
	v15 =	vmin.u32 v16, $0xFF;
	v13 =	vmin.u32 v13, $0xFF;
	v18 =	vnsel vm2, $0x0, v18  }
0x5f: {  	[tilespmem:$0x170] =	vst v4;
	v17 =	vnsel vm1, $0x0, v17;
	v13 =	vshll.u32 v13, $0x8;
	v63 =	vmin.u32 v18, $0xFF  }
0x60: {  	[tilespmem:$0x110] =	vst v14;
	v14 =	vmin.u32 v17, $0xFF;
	v13 =	vor.u32 v15, v13;
	v15 =	vshll.u32 v63, $0x8  }
0x61: {  	[tilespmem:$0x120] =	vst v13;
	v13 =	vor.u32 v14, v15  }
0x62: {  	s21 =	simm.s32 $0x1;
	[tilespmem:$0x130] =	vst v13  }
0x63: {  	s20 =	simm.s32 $0x8;
	vm1 =	vmmov vm0;
	v13 =	vld.idx.msk [tilespmem:v6+s21+$0x0 ss:$0x1], $0xffff  }
.LBB2_2:
0x64: {  	p0 =	sne.s32 s20, $0xFC  }
.Ltmp0:
0x65: {  	_ = 	snop;
	(pc) =	sbr.rel @p0 .LBB2_2-.Ltmp0, $4  }
0x66: {  	_ = 	snop  }
0x67: {  	s21 =	sshra.s32 s20, $0x2;
	s20 =	sadd.s32 $0x4, s20  }
0x68: {  	vm2 =	veq.s32 v13, v10;
	v13 =	vld.idx.msk [tilespmem:v6+s21+$0x0 ss:$0x1], $0xffff  }
0x69: {  	vm1 =	vmor vm1, vm2  }
0x6a: {  	_ =	swait.ge [sflag:s16], $0x20  }
0x6b: {  	[sflag:s16] =	ssyncset.done $0x0  }
0x6c: {  	[sflag:s16] =	ssyncadd.s32 $0xFFFFFFE0  }
0x6d: {  	_ =	swait.ge [sflag:s17], $0x10  }
0x6e: {  	[sflag:s17] =	ssyncset.done $0x0  }
0x6f: {  	[sflag:s17] =	ssyncadd.s32 $0xFFFFFFF0  }
0x70: {  	v14 =	vld [tilespmem:$0x280]  }
0x71: {  	v15 =	vld [tilespmem:$0x290]  }
0x72: {  	v12 =	vcvt.s32.f32 v12;
	v11 =	vcvt.s32.f32 v11;
	_ =	sdelay $0x1  }
0x73: {  	v7 =	vsub.f32 v7, v12;
	v8 =	vsub.f32 v8, v11;
	v62 =	vld [tilespmem:$0x300];
	_ =	sdelay $0x1  }
0x74: {  	v7 =	vsub.f32 v14, v7;
	v8 =	vsub.f32 v15, v8;
	_ =	sdelay $0x1  }
0x75: {  	vm2 =	veq.s32 v13, v10;
	v7 =	vand.u32 $0x7FFFFFFF, v7;
	v8 =	vand.u32 $0x7FFFFFFF, v8  }
0x76: {  	vm1 =	vmor vm1, vm2;
	v7 =	vadd.f32 v8, v7;
	v8 =	vsub.f32 v62, v9  }
0x77: {  	v63 =	vsel vm1, $0x0, v5  }
0x78: {  	v7 =	vmul.f32 v7, v63;
	v8 =	vand.u32 $0x7FFFFFFF, v8  }
0x79: {  	s19 =	sadd.s32 $0x1, s19;
	[tilespmem:$0x3A0] =	vst v63;
	v8 =	vmul.f32 v8, v63  }
0x7a: {  	p0 =	sne.s32 s19, s8;
	[tilespmem:$0x380] =	vst v7  }
.Ltmp1:
0x7b: {  	[tilespmem:$0x390] =	vst v8;
	(pc) =	sbr.rel @p0 .LBB2_1-.Ltmp1, $4  }
0x7c: {  	[hbm4b:s7+s1] =	stream.linear.scatter [tilespmem:s18], [sflag:$0x3], $0x80, $0x38;
	[tilespmem:$0x400] =	vst v63  }
0x7d: {  	_ =	swait.ge [sflag:s9], $0x80  }
0x7e: {  	[sflag:s9] =	ssyncset.done $0x0  }
0x7f: {  	[sflag:s9] =	ssyncadd.s32 $0xFFFFFF80  }
0x80: {  	_ =	sfence.sel $0x180000  }
0x81: {  	[bflag:$0x0] =	sbarrier.arrive $0xFFFF  }
0x82: {  	p0 =	sne.s32 s2, $0x0;
	_ =	strace $0x90000047  }
0x83: {  	s0 =	sadd.s32 @!p0 $0x100000, s0;
	[bflag:$0x2] =	sbarrier.arrive $0xFFFF  }
0x84: {  	[sflag:s0] =	ssyncadd.tile.s32 @!p0 $0x1;
	_ =	shalt  }
.Lfunc_end2:
_tile_overlayer_lowered:
.L_overlay_start_2:
0x85: {  	(tag) =	ssettag $0x2  }
0x86: {  	s0 =	rddreg [dreg:$0x0];
	s2 =	stileid.u32  }
0x87: {  	s1 =	rddreg [dreg:$0x1];
	p0 =	sne.s32 s2, $0x0  }
0x88: {  	s3 =	rddreg [dreg:$0x2];
	[bflag:$0x3] =	sbarrier.arrive $0xFFFF;
	s2 =	simm.s32 @!p0 $0x1C03  }
0x89: {  	[timem:s3], [sflag:s2] =	dma.local @!p0 [hbm:s0], s1  }
0x8a: {  	s0 =	simm.s32 @!p0 $0x3  }
0x8b: {  	_ =	swait.ge @!p0 [sflag:s0], s1  }
0x8c: {  	s1 =	ssub.s32 @!p0 $0x0, s1;
	[sflag:s0] =	ssyncset.done @!p0 $0x0  }
0x8d: {  	[sflag:s0] =	ssyncadd.s32 @!p0 s1  }
0x8e: {  	[bflag:$0x3] =	sbarrier.arrive $0xFFFF  }
0x8f: {  	_ =	shalt  }

</sc_bundles>
